<compile_context>
chip_gen: v7x
topology: tpu7x:2x2x1
jax: 0.10.2.dev20260603
libtpu: 0.0.44.dev20260713+nightly
codegen_flags: <defaults>
</compile_context>

<pallas_src>
import functools

import jax
import jax.numpy as jnp
from jax import lax
from jax.experimental import pallas as pl
from jax.experimental.pallas import tpu as pltpu
from jax.experimental.pallas import tpu_sc as plsc

_N = 10000
_E = 320000
_HID = 200
_HP = 256
_NP = 10240
_NG = _NP // 128
_NC = 2
_NS = 16
_NW = _NC * _NS
_EPW = _E // _NW
_L = 16

_MESH = plsc.VectorSubcoreMesh(
    core_axis_name="c", subcore_axis_name="s", num_cores=_NC, num_subcores=_NS
)

_TILES = _E // 128
_TPW = _TILES // _NW
_EC_BASE = _TPW * 128
_EC_MAX = _EC_BASE + 128


def _load_edges(edge_hbm, ev, wid):
    t0 = _TPW * wid + jnp.minimum(wid, 4)
    c0 = pl.multiple_of(t0 * 128, 128)

    @pl.when(wid < 4)
    def _():
        pltpu.sync_copy(edge_hbm.at[:, pl.ds(c0, _EC_MAX)], ev)

    @pl.when(wid >= 4)
    def _():
        pltpu.sync_copy(edge_hbm.at[:, pl.ds(c0, _EC_BASE)],
                        ev.at[:, pl.ds(0, _EC_BASE)])


def _worker_id():
    return lax.axis_index("s") * _NC + lax.axis_index("c")


_STRIPE = _NP // _NS


def _reduce_to_core(acc_v, parts_sm, red_v, out_hbm):
    cid = lax.axis_index("c")
    sid = lax.axis_index("s")
    pltpu.sync_copy(acc_v, parts_sm.at[sid])
    plsc.subcore_barrier()
    base = sid * _STRIPE
    pltpu.sync_copy(parts_sm.at[:, pl.ds(base, _STRIPE)], red_v)

    def body(i, carry):
        cbase = i * _L
        tot = red_v[0, pl.ds(cbase, _L)]
        for t in range(1, _NS):
            tot = tot + red_v[t, pl.ds(cbase, _L)]
        acc_v[pl.ds(base + cbase, _L)] = tot
        return carry

    lax.fori_loop(0, _STRIPE // _L, body, 0)
    pltpu.sync_copy(acc_v.at[pl.ds(base, _STRIPE)], out_hbm.at[cid, pl.ds(base, _STRIPE)])


def _zero_vmem(ref, n):
    zeros = jnp.zeros((_L,), jnp.float32)
    unroll = 8

    def body(i, carry):
        base = i * (unroll * _L)
        for k in range(unroll):
            ref[pl.ds(base + k * _L, _L)] = zeros
        return carry

    lax.fori_loop(0, n // (unroll * _L), body, 0)


@functools.partial(
    pl.kernel,
    out_type=jax.ShapeDtypeStruct((_NC, _NP), jnp.float32),
    mesh=_MESH,
    scratch_types=[
        pltpu.VMEM((2, _EC_MAX), jnp.int32),
        pltpu.VMEM((_NP,), jnp.float32),
        pltpu.VMEM_SHARED((_NS, _NP), jnp.float32),
        pltpu.VMEM((_NS, _STRIPE), jnp.float32),
    ],
    compiler_params=pltpu.CompilerParams(needs_layout_passes=False),
)
def _sc_degree(edge_hbm, out_hbm, ev, acc_v, parts_sm, red_v):
    wid = _worker_id()
    _load_edges(edge_hbm, ev, wid)
    _zero_vmem(acc_v, _NP)
    ones = jnp.ones((_L,), jnp.float32)

    @plsc.parallel_loop(0, _EC_BASE // _L, unroll=24)
    def _(i):
        idx = ev[1, pl.ds(i * _L, _L)]
        plsc.addupdate_scatter(acc_v, [idx], ones)

    @pl.when(wid < 4)
    def _():
        for k in range(_EC_BASE // _L, _EC_MAX // _L):
            idx = ev[1, pl.ds(k * _L, _L)]
            plsc.addupdate_scatter(acc_v, [idx], ones)

    _reduce_to_core(acc_v, parts_sm, red_v, out_hbm)


@functools.partial(
    pl.kernel,
    out_type=jax.ShapeDtypeStruct((_NC, _NP), jnp.float32),
    mesh=_MESH,
    scratch_types=[
        pltpu.VMEM((2, _EC_MAX), jnp.int32),
        pltpu.VMEM((_NP,), jnp.float32),
        pltpu.VMEM((_NP,), jnp.float32),
        pltpu.VMEM_SHARED((_NS, _NP), jnp.float32),
        pltpu.VMEM((_NS, _STRIPE), jnp.float32),
    ],
    compiler_params=pltpu.CompilerParams(needs_layout_passes=False),
)
def _sc_message(edge_hbm, u_hbm, out_hbm, ev, u_v, acc_v,
                parts_sm, red_v):
    wid = _worker_id()
    pltpu.sync_copy(u_hbm, u_v)
    _load_edges(edge_hbm, ev, wid)
    _zero_vmem(acc_v, _NP)

    @plsc.parallel_loop(0, _EC_BASE // _L, unroll=24)
    def _(i):
        sidx = ev[0, pl.ds(i * _L, _L)]
        didx = ev[1, pl.ds(i * _L, _L)]
        vals = plsc.load_gather(u_v, [sidx])
        plsc.addupdate_scatter(acc_v, [didx], vals)

    @pl.when(wid < 4)
    def _():
        for k in range(_EC_BASE // _L, _EC_MAX // _L):
            sidx = ev[0, pl.ds(k * _L, _L)]
            didx = ev[1, pl.ds(k * _L, _L)]
            vals = plsc.load_gather(u_v, [sidx])
            plsc.addupdate_scatter(acc_v, [didx], vals)

    _reduce_to_core(acc_v, parts_sm, red_v, out_hbm)


def _matvec_body(x_ref, w_ref, h_ref):
    h_ref[...] = lax.dot_general(x_ref[...], w_ref[...],
                                 (((2,), (0,)), ((), ())),
                                 preferred_element_type=jnp.float32)


def _prep_body(degp_ref, h_ref, dinv_ref, u_ref):
    deg = jnp.sum(degp_ref[...], axis=0) + 1.0
    dinv = lax.rsqrt(deg)
    dinv_ref[...] = dinv
    u_ref[...] = dinv * h_ref[...]


_SLICES = 40


def _mlp_body(s0_ref, s1_ref, dinv_ref, u_ref, bg_ref, w1c_ref, bsT_ref,
              w2_ref, w3_ref, w4_ref, w5_ref, w6_ref, w7_ref, w8_ref,
              b8_ref, o_ref):
    z = dinv_ref[...] * (s0_ref[...] + s1_ref[...] + u_ref[...]) + bg_ref[0, 0]
    cols = [z[g:g + 1, :] * w1c_ref[...] for g in range(_SLICES)]
    aT = jnp.concatenate(cols, axis=1)
    aT = jnp.maximum(aT + bsT_ref[:, 0:1], 0.0)
    dn = (((0,), (0,)), ((), ()))
    for l, w_ref in enumerate((w2_ref, w3_ref, w4_ref, w5_ref, w6_ref, w7_ref),
                              start=1):
        aT = lax.dot_general(w_ref[...], aT.astype(jnp.bfloat16), dn,
                             preferred_element_type=jnp.float32)
        aT = jnp.maximum(aT + bsT_ref[:, l:l + 1], 0.0)
    logT = lax.dot_general(w8_ref[...], aT.astype(jnp.bfloat16), dn,
                           preferred_element_type=jnp.float32)
    o_ref[...] = jax.nn.sigmoid(logT + b8_ref[0, 0])


def kernel(x, edge_index, W_gcn, b_gcn, mlp_Ws, mlp_bs):
    f32 = jnp.float32

    x_pad = jnp.pad(x, ((0, _NP - _N), (0, 0)))

    h = pl.pallas_call(
        _matvec_body,
        out_shape=jax.ShapeDtypeStruct((_NG, 128), f32),
    )(x_pad.reshape(_NG, 128, 128), W_gcn.reshape(128))

    degp = _sc_degree(edge_index)

    dinv, u = pl.pallas_call(
        _prep_body,
        out_shape=(
            jax.ShapeDtypeStruct((_NG, 128), f32),
            jax.ShapeDtypeStruct((_NG, 128), f32),
        ),
    )(degp.reshape(_NC, _NG, 128), h)

    sp = _sc_message(edge_index, u.reshape(_NP))

    bf16 = jnp.bfloat16
    w1c = mlp_Ws[0].reshape(_HID, 1)
    wmid = [w.astype(bf16) for w in mlp_Ws[1:7]]
    w8 = mlp_Ws[7].astype(bf16)
    bsT = jnp.stack(mlp_bs[:7], axis=1)
    b8 = mlp_bs[7].reshape(1, 1)

    rows = 128 * _SLICES
    grid = _NP // rows
    full = lambda shape: pl.BlockSpec(shape, lambda *_: tuple(0 for _ in shape))

    sp2 = sp.reshape(_NC * _NG, 128)
    operands = [sp2, sp2, dinv, u,
                b_gcn.reshape(1, 1), w1c, bsT] + wmid + [w8, b8]
    in_specs = [pl.BlockSpec((_SLICES, 128), lambda i: (i, 0)),
                pl.BlockSpec((_SLICES, 128), lambda i: (i + _NG // _SLICES, 0)),
                pl.BlockSpec((_SLICES, 128), lambda i: (i, 0)),
                pl.BlockSpec((_SLICES, 128), lambda i: (i, 0)),
                full((1, 1)), full((_HID, 1)), full((_HID, 7))]
    in_specs += [full((_HID, _HID))] * 6
    in_specs += [full((_HID, 1)), full((1, 1))]

    out = pl.pallas_call(
        _mlp_body,
        grid=(grid,),
        in_specs=in_specs,
        out_specs=pl.BlockSpec((1, rows), lambda i: (0, i)),
        out_shape=jax.ShapeDtypeStruct((1, _NP), f32),
    )(*operands)

    return out.reshape(_NP)[:_N, None]

# --- scband reference (transcript-rebuilt; emitter-appended) ---
"""Pipeline reference for scband-gcn-7052336300581 (READ-ONLY COPY).

The authoritative reference and input builder live on the scoring server;
editing this copy changes nothing except your own understanding.
"""

import jax, jax.numpy as jnp
import numpy as np

N = 10000
E = 320000
D_IN = 128
HID = 200
NUM_LAYERS = 8


def setup_inputs(seed: int = 0) -> dict:
    key = jax.random.key(seed)
    ks = jax.random.split(key, 4 + NUM_LAYERS)
    x = jax.random.normal(ks[0], (N, D_IN), dtype=jnp.float32)
    edge_index = jax.random.randint(ks[1], (2, E), 0, N, dtype=jnp.int32)
    W_gcn = jax.random.normal(ks[2], (D_IN, 1), dtype=jnp.float32) / np.sqrt(D_IN)
    b_gcn = jnp.zeros((1,), dtype=jnp.float32)
    dims = [1] + [HID] * (NUM_LAYERS - 1) + [1]
    mlp_Ws, mlp_bs = [], []
    for i in range(NUM_LAYERS):
        mlp_Ws.append(jax.random.normal(ks[3 + i], (dims[i], dims[i + 1]), dtype=jnp.float32) / np.sqrt(dims[i]))
        mlp_bs.append(jnp.zeros((dims[i + 1],), dtype=jnp.float32))
    return {"x": x, "edge_index": edge_index, "W_gcn": W_gcn, "b_gcn": b_gcn,
            "mlp_Ws": tuple(mlp_Ws), "mlp_bs": tuple(mlp_bs)}


def _gcn_conv(x, edge_index, W, b):
    # PyG-style GCNConv: linear -> add self loops -> sym-normalized scatter-add
    h = x @ W
    loop = jnp.arange(N, dtype=edge_index.dtype)
    src = jnp.concatenate([edge_index[0], loop])
    dst = jnp.concatenate([edge_index[1], loop])
    deg = jax.ops.segment_sum(jnp.ones_like(src, dtype=jnp.float32), dst, num_segments=N)
    dinv = jnp.where(deg > 0, jax.lax.rsqrt(jnp.maximum(deg, 1e-12)), 0.0)
    norm = dinv[src] * dinv[dst]
    msg = norm[:, None] * h[src]
    out = jax.ops.segment_sum(msg, dst, num_segments=N)
    return out + b


def reference(x, edge_index, W_gcn, b_gcn, mlp_Ws, mlp_bs):
    h = _gcn_conv(x, edge_index, W_gcn, b_gcn)
    for i in range(NUM_LAYERS):
        h = h @ mlp_Ws[i] + mlp_bs[i]
        if i < NUM_LAYERS - 1:
            h = jax.nn.relu(h)
    return jax.nn.sigmoid(h)

if __name__ == "__main__":
    import jax
    _d = setup_inputs()
    print(jax.jit(kernel)(*tuple(_d.values())))

</pallas_src>

<mosaic_0001>
#map = affine_map<(d0, d1) -> (0, 0)>
module attributes {stable_mosaic.version = 14 : i64} {
  func.func @_sc_degree(%arg0: i32, %arg1: i32, %arg2: memref<2x320000xi32, #tpu.memory_space<hbm>>, %arg3: memref<2x10240xf32, #tpu.memory_space<hbm>>, %arg4: memref<2x10112xi32, #tpu.memory_space<vmem>>, %arg5: memref<10240xf32, #tpu.memory_space<vmem>>, %arg6: memref<16x10240xf32, #tpu.memory_space<vmem_shared>>, %arg7: memref<16x640xf32, #tpu.memory_space<vmem>>) attributes {dimension_semantics = [#tpu.dimension_semantics<core_parallel>, #tpu.dimension_semantics<subcore_parallel>], iteration_bounds = array<i64: 2, 16>, scalar_prefetch = 0 : i64, scratch_operands = 4 : i64, tpu.core_type = #tpu.core_type<sc_vector_subcore>, window_params = [{transform_indices = #map}, {transform_indices = #map}]} {
    %mul3A = arith.constant 2 : i32
    %mul3A_0 = arith.muli %arg1, %mul3A : i32
    %add3A = arith.addi %mul3A_0, %arg0 : i32
    %mul3A_1 = arith.constant 78 : i32
    %mul3A_2 = arith.muli %mul3A_1, %add3A : i32
    %min3A = arith.constant 4 : i32
    %min3A_3 = arith.minsi %add3A, %min3A : i32
    %add3A_4 = arith.addi %mul3A_2, %min3A_3 : i32
    %mul3A_5 = arith.constant 128 : i32
    %mul3A_6 = arith.muli %add3A_4, %mul3A_5 : i32
    %multiple_of3A = tpu.assume_multiple %mul3A_6, 128 : i32
    %lt3A = arith.constant 4 : i32
    %lt3A_7 = arith.cmpi slt, %add3A, %lt3A : i32
    %convert_element_type3A = arith.extui %lt3A_7 : i1 to i32
    %cond3A = arith.constant 0 : i32
    %cond3A_8 = arith.cmpi ne, %convert_element_type3A, %cond3A : i32
    scf.if %cond3A_8 {
      "tpu.region"() ({
        %run_scoped3A = tpu.sem_alloc : memref<!tpu.dma_semaphore, #tpu.memory_space<semaphore_mem>>
        %dma_start3A = arith.constant 0 : i32
        %dma_start3A_36 = tpu.memref_slice %arg2[%dma_start3A, %multiple_of3A] : memref<2x320000xi32, #tpu.memory_space<hbm>> -> memref<2x10112xi32, #tpu.memory_space<hbm>>
        %dma_start3A_37 = arith.constant 0 : i32
        %dma_start3A_38 = tpu.memref_slice %arg2[%dma_start3A_37, %multiple_of3A] : memref<2x320000xi32, #tpu.memory_space<hbm>> -> memref<2x10112xi32, #tpu.memory_space<hbm>>
        tpu.enqueue_dma source(%dma_start3A_38 : memref<2x10112xi32, #tpu.memory_space<hbm>>) target(%arg4 : memref<2x10112xi32, #tpu.memory_space<vmem>>) target_semaphore(%run_scoped3A : memref<!tpu.dma_semaphore, #tpu.memory_space<semaphore_mem>>)
        %dma_wait3A = arith.constant 0 : i32
        %dma_wait3A_39 = tpu.memref_slice %arg2[%dma_wait3A, %multiple_of3A] : memref<2x320000xi32, #tpu.memory_space<hbm>> -> memref<2x10112xi32, #tpu.memory_space<hbm>>
        %dma_wait3A_40 = arith.constant 0 : i32
        %dma_wait3A_41 = tpu.memref_slice %arg2[%dma_wait3A_40, %multiple_of3A] : memref<2x320000xi32, #tpu.memory_space<hbm>> -> memref<2x10112xi32, #tpu.memory_space<hbm>>
        tpu.wait_dma2 semaphore(%run_scoped3A : memref<!tpu.dma_semaphore, #tpu.memory_space<semaphore_mem>>) src(%dma_wait3A_41 : memref<2x10112xi32, #tpu.memory_space<hbm>>) dst(%arg4 : memref<2x10112xi32, #tpu.memory_space<vmem>>)
        tpu.yield
      }) : () -> ()
    } else {
    }
    %ge3A = arith.constant 4 : i32
    %ge3A_9 = arith.cmpi sge, %add3A, %ge3A : i32
    %convert_element_type3A_10 = arith.extui %ge3A_9 : i1 to i32
    %cond3A_11 = arith.constant 0 : i32
    %cond3A_12 = arith.cmpi ne, %convert_element_type3A_10, %cond3A_11 : i32
    scf.if %cond3A_12 {
      "tpu.region"() ({
        %run_scoped3A = tpu.sem_alloc : memref<!tpu.dma_semaphore, #tpu.memory_space<semaphore_mem>>
        %dma_start3A = arith.constant 0 : i32
        %dma_start3A_36 = arith.constant 0 : i32
        %dma_start3A_37 = tpu.memref_slice %arg4[%dma_start3A, %dma_start3A_36] : memref<2x10112xi32, #tpu.memory_space<vmem>> -> memref<2x9984xi32, #tpu.memory_space<vmem>>
        %dma_start3A_38 = arith.constant 0 : i32
        %dma_start3A_39 = tpu.memref_slice %arg2[%dma_start3A_38, %multiple_of3A] : memref<2x320000xi32, #tpu.memory_space<hbm>> -> memref<2x9984xi32, #tpu.memory_space<hbm>>
        %dma_start3A_40 = arith.constant 0 : i32
        %dma_start3A_41 = arith.constant 0 : i32
        %dma_start3A_42 = tpu.memref_slice %arg4[%dma_start3A_40, %dma_start3A_41] : memref<2x10112xi32, #tpu.memory_space<vmem>> -> memref<2x9984xi32, #tpu.memory_space<vmem>>
        %dma_start3A_43 = arith.constant 0 : i32
        %dma_start3A_44 = tpu.memref_slice %arg2[%dma_start3A_43, %multiple_of3A] : memref<2x320000xi32, #tpu.memory_space<hbm>> -> memref<2x9984xi32, #tpu.memory_space<hbm>>
        tpu.enqueue_dma source(%dma_start3A_44 : memref<2x9984xi32, #tpu.memory_space<hbm>>) target(%dma_start3A_42 : memref<2x9984xi32, #tpu.memory_space<vmem>>) target_semaphore(%run_scoped3A : memref<!tpu.dma_semaphore, #tpu.memory_space<semaphore_mem>>)
        %dma_wait3A = arith.constant 0 : i32
        %dma_wait3A_45 = arith.constant 0 : i32
        %dma_wait3A_46 = tpu.memref_slice %arg4[%dma_wait3A, %dma_wait3A_45] : memref<2x10112xi32, #tpu.memory_space<vmem>> -> memref<2x9984xi32, #tpu.memory_space<vmem>>
        %dma_wait3A_47 = arith.constant 0 : i32
        %dma_wait3A_48 = tpu.memref_slice %arg2[%dma_wait3A_47, %multiple_of3A] : memref<2x320000xi32, #tpu.memory_space<hbm>> -> memref<2x9984xi32, #tpu.memory_space<hbm>>
        %dma_wait3A_49 = arith.constant 0 : i32
        %dma_wait3A_50 = arith.constant 0 : i32
        %dma_wait3A_51 = tpu.memref_slice %arg4[%dma_wait3A_49, %dma_wait3A_50] : memref<2x10112xi32, #tpu.memory_space<vmem>> -> memref<2x9984xi32, #tpu.memory_space<vmem>>
        %dma_wait3A_52 = arith.constant 0 : i32
        %dma_wait3A_53 = tpu.memref_slice %arg2[%dma_wait3A_52, %multiple_of3A] : memref<2x320000xi32, #tpu.memory_space<hbm>> -> memref<2x9984xi32, #tpu.memory_space<hbm>>
        tpu.wait_dma2 semaphore(%run_scoped3A : memref<!tpu.dma_semaphore, #tpu.memory_space<semaphore_mem>>) src(%dma_wait3A_53 : memref<2x9984xi32, #tpu.memory_space<hbm>>) dst(%dma_wait3A_51 : memref<2x9984xi32, #tpu.memory_space<vmem>>)
        tpu.yield
      }) : () -> ()
    } else {
    }
    %broadcast_in_dim3A = arith.constant 0.000000e+00 : f32
    %broadcast_in_dim3A_13 = vector.broadcast %broadcast_in_dim3A : f32 to vector<16xf32>
    %scan3A = arith.constant 0 : i32
    %scan3A_14 = arith.constant 0 : i32
    %scan3A_15 = arith.constant 80 : i32
    %scan3A_16 = arith.addi %scan3A_14, %scan3A_15 : i32
    %scan3A_17 = arith.constant 1 : i32
    scf.for %scan3A_36 = %scan3A_14 to %scan3A_16 step %scan3A_17  : i32 {
      %mul3A_37 = arith.constant 128 : i32
      %mul3A_38 = arith.muli %scan3A_36, %mul3A_37 : i32
      %add3A_39 = arith.constant 0 : i32
      %add3A_40 = arith.addi %mul3A_38, %add3A_39 : i32
      %swap3A = arith.index_cast %add3A_40 : i32 to index
      %swap3A_41 = tpu.vector_load %arg5[%swap3A] {strides = array<i32>} : memref<10240xf32, #tpu.memory_space<vmem>>, vector<16xf32>,
      tpu.vector_store %arg5[%swap3A], %broadcast_in_dim3A_13 {strides = array<i32>} : memref<10240xf32, #tpu.memory_space<vmem>>, vector<16xf32>,
      %add3A_42 = arith.constant 16 : i32
      %add3A_43 = arith.addi %mul3A_38, %add3A_42 : i32
      %swap3A_44 = arith.index_cast %add3A_43 : i32 to index
      %swap3A_45 = tpu.vector_load %arg5[%swap3A_44] {strides = array<i32>} : memref<10240xf32, #tpu.memory_space<vmem>>, vector<16xf32>,
      tpu.vector_store %arg5[%swap3A_44], %broadcast_in_dim3A_13 {strides = array<i32>} : memref<10240xf32, #tpu.memory_space<vmem>>, vector<16xf32>,
      %add3A_46 = arith.constant 32 : i32
      %add3A_47 = arith.addi %mul3A_38, %add3A_46 : i32
      %swap3A_48 = arith.index_cast %add3A_47 : i32 to index
      %swap3A_49 = tpu.vector_load %arg5[%swap3A_48] {strides = array<i32>} : memref<10240xf32, #tpu.memory_space<vmem>>, vector<16xf32>,
      tpu.vector_store %arg5[%swap3A_48], %broadcast_in_dim3A_13 {strides = array<i32>} : memref<10240xf32, #tpu.memory_space<vmem>>, vector<16xf32>,
      %add3A_50 = arith.constant 48 : i32
      %add3A_51 = arith.addi %mul3A_38, %add3A_50 : i32
      %swap3A_52 = arith.index_cast %add3A_51 : i32 to index
      %swap3A_53 = tpu.vector_load %arg5[%swap3A_52] {strides = array<i32>} : memref<10240xf32, #tpu.memory_space<vmem>>, vector<16xf32>,
      tpu.vector_store %arg5[%swap3A_52], %broadcast_in_dim3A_13 {strides = array<i32>} : memref<10240xf32, #tpu.memory_space<vmem>>, vector<16xf32>,
      %add3A_54 = arith.constant 64 : i32
      %add3A_55 = arith.addi %mul3A_38, %add3A_54 : i32
      %swap3A_56 = arith.index_cast %add3A_55 : i32 to index
      %swap3A_57 = tpu.vector_load %arg5[%swap3A_56] {strides = array<i32>} : memref<10240xf32, #tpu.memory_space<vmem>>, vector<16xf32>,
      tpu.vector_store %arg5[%swap3A_56], %broadcast_in_dim3A_13 {strides = array<i32>} : memref<10240xf32, #tpu.memory_space<vmem>>, vector<16xf32>,
      %add3A_58 = arith.constant 80 : i32
      %add3A_59 = arith.addi %mul3A_38, %add3A_58 : i32
      %swap3A_60 = arith.index_cast %add3A_59 : i32 to index
      %swap3A_61 = tpu.vector_load %arg5[%swap3A_60] {strides = array<i32>} : memref<10240xf32, #tpu.memory_space<vmem>>, vector<16xf32>,
      tpu.vector_store %arg5[%swap3A_60], %broadcast_in_dim3A_13 {strides = array<i32>} : memref<10240xf32, #tpu.memory_space<vmem>>, vector<16xf32>,
      %add3A_62 = arith.constant 96 : i32
      %add3A_63 = arith.addi %mul3A_38, %add3A_62 : i32
      %swap3A_64 = arith.index_cast %add3A_63 : i32 to index
      %swap3A_65 = tpu.vector_load %arg5[%swap3A_64] {strides = array<i32>} : memref<10240xf32, #tpu.memory_space<vmem>>, vector<16xf32>,
      tpu.vector_store %arg5[%swap3A_64], %broadcast_in_dim3A_13 {strides = array<i32>} : memref<10240xf32, #tpu.memory_space<vmem>>, vector<16xf32>,
      %add3A_66 = arith.constant 112 : i32
      %add3A_67 = arith.addi %mul3A_38, %add3A_66 : i32
      %swap3A_68 = arith.index_cast %add3A_67 : i32 to index
      %swap3A_69 = tpu.vector_load %arg5[%swap3A_68] {strides = array<i32>} : memref<10240xf32, #tpu.memory_space<vmem>>, vector<16xf32>,
      tpu.vector_store %arg5[%swap3A_68], %broadcast_in_dim3A_13 {strides = array<i32>} : memref<10240xf32, #tpu.memory_space<vmem>>, vector<16xf32>,
    }
    %scan3A_18 = arith.constant 80 : i32
    %broadcast_in_dim3A_19 = arith.constant 1.000000e+00 : f32
    %broadcast_in_dim3A_20 = vector.broadcast %broadcast_in_dim3A_19 : f32 to vector<16xf32>
    %parallel_loop3A = arith.constant 0 : i32
    %parallel_loop3A_21 = arith.constant 624 : i32
    %parallel_loop3A_22 = arith.constant 1 : i32
    scf.for %parallel_loop3A_36 = %parallel_loop3A to %parallel_loop3A_21 step %parallel_loop3A_22  : i32 {
      %parallel_loop3A_37 = arith.constant 16 : i32
      %parallel_loop3A_38 = arith.muli %parallel_loop3A_36, %parallel_loop3A_37 : i32
      %parallel_loop3A_39 = arith.constant 1 : i32
      %parallel_loop3A_40 = arith.index_cast %parallel_loop3A_39 : i32 to index
      %parallel_loop3A_41 = arith.index_cast %parallel_loop3A_38 : i32 to index
      %parallel_loop3A_42 = tpu.vector_load %arg4[%parallel_loop3A_40, %parallel_loop3A_41] {strides = array<i32>} : memref<2x10112xi32, #tpu.memory_space<vmem>>, vector<16xi32>,
      tpu.vector_store_idx %arg5[%parallel_loop3A_42], %broadcast_in_dim3A_20 {add = true} : memref<10240xf32, #tpu.memory_space<vmem>>[vector<16xi32>], vector<16xf32>,
    } {sc.loop_unroll_factor = 24 : i64, sc.parallel_access}
    %lt3A_23 = arith.constant 4 : i32
    %lt3A_24 = arith.cmpi slt, %add3A, %lt3A_23 : i32
    %convert_element_type3A_25 = arith.extui %lt3A_24 : i1 to i32
    %cond3A_26 = arith.constant 0 : i32
    %cond3A_27 = arith.cmpi ne, %convert_element_type3A_25, %cond3A_26 : i32
    scf.if %cond3A_27 {
      %get3A = arith.constant 1 : i32
      %get3A_36 = arith.index_cast %get3A : i32 to index
      %get3A_37 = arith.constant 9984 : index
      %get3A_38 = tpu.vector_load %arg4[%get3A_36, %get3A_37] {strides = array<i32>} : memref<2x10112xi32, #tpu.memory_space<vmem>>, vector<16xi32>,
      tpu.vector_store_idx %arg5[%get3A_38], %broadcast_in_dim3A_20 {add = true} : memref<10240xf32, #tpu.memory_space<vmem>>[vector<16xi32>], vector<16xf32>,
      %get3A_39 = arith.constant 1 : i32
      %get3A_40 = arith.index_cast %get3A_39 : i32 to index
      %get3A_41 = arith.constant 10000 : index
      %get3A_42 = tpu.vector_load %arg4[%get3A_40, %get3A_41] {strides = array<i32>} : memref<2x10112xi32, #tpu.memory_space<vmem>>, vector<16xi32>,
      tpu.vector_store_idx %arg5[%get3A_42], %broadcast_in_dim3A_20 {add = true} : memref<10240xf32, #tpu.memory_space<vmem>>[vector<16xi32>], vector<16xf32>,
      %get3A_43 = arith.constant 1 : i32
      %get3A_44 = arith.index_cast %get3A_43 : i32 to index
      %get3A_45 = arith.constant 10016 : index
      %get3A_46 = tpu.vector_load %arg4[%get3A_44, %get3A_45] {strides = array<i32>} : memref<2x10112xi32, #tpu.memory_space<vmem>>, vector<16xi32>,
      tpu.vector_store_idx %arg5[%get3A_46], %broadcast_in_dim3A_20 {add = true} : memref<10240xf32, #tpu.memory_space<vmem>>[vector<16xi32>], vector<16xf32>,
      %get3A_47 = arith.constant 1 : i32
      %get3A_48 = arith.index_cast %get3A_47 : i32 to index
      %get3A_49 = arith.constant 10032 : index
      %get3A_50 = tpu.vector_load %arg4[%get3A_48, %get3A_49] {strides = array<i32>} : memref<2x10112xi32, #tpu.memory_space<vmem>>, vector<16xi32>,
      tpu.vector_store_idx %arg5[%get3A_50], %broadcast_in_dim3A_20 {add = true} : memref<10240xf32, #tpu.memory_space<vmem>>[vector<16xi32>], vector<16xf32>,
      %get3A_51 = arith.constant 1 : i32
      %get3A_52 = arith.index_cast %get3A_51 : i32 to index
      %get3A_53 = arith.constant 10048 : index
      %get3A_54 = tpu.vector_load %arg4[%get3A_52, %get3A_53] {strides = array<i32>} : memref<2x10112xi32, #tpu.memory_space<vmem>>, vector<16xi32>,
      tpu.vector_store_idx %arg5[%get3A_54], %broadcast_in_dim3A_20 {add = true} : memref<10240xf32, #tpu.memory_space<vmem>>[vector<16xi32>], vector<16xf32>,
      %get3A_55 = arith.constant 1 : i32
      %get3A_56 = arith.index_cast %get3A_55 : i32 to index
      %get3A_57 = arith.constant 10064 : index
      %get3A_58 = tpu.vector_load %arg4[%get3A_56, %get3A_57] {strides = array<i32>} : memref<2x10112xi32, #tpu.memory_space<vmem>>, vector<16xi32>,
      tpu.vector_store_idx %arg5[%get3A_58], %broadcast_in_dim3A_20 {add = true} : memref<10240xf32, #tpu.memory_space<vmem>>[vector<16xi32>], vector<16xf32>,
      %get3A_59 = arith.constant 1 : i32
      %get3A_60 = arith.index_cast %get3A_59 : i32 to index
      %get3A_61 = arith.constant 10080 : index
      %get3A_62 = tpu.vector_load %arg4[%get3A_60, %get3A_61] {strides = array<i32>} : memref<2x10112xi32, #tpu.memory_space<vmem>>, vector<16xi32>,
      tpu.vector_store_idx %arg5[%get3A_62], %broadcast_in_dim3A_20 {add = true} : memref<10240xf32, #tpu.memory_space<vmem>>[vector<16xi32>], vector<16xf32>,
      %get3A_63 = arith.constant 1 : i32
      %get3A_64 = arith.index_cast %get3A_63 : i32 to index
      %get3A_65 = arith.constant 10096 : index
      %get3A_66 = tpu.vector_load %arg4[%get3A_64, %get3A_65] {strides = array<i32>} : memref<2x10112xi32, #tpu.memory_space<vmem>>, vector<16xi32>,
      tpu.vector_store_idx %arg5[%get3A_66], %broadcast_in_dim3A_20 {add = true} : memref<10240xf32, #tpu.memory_space<vmem>>[vector<16xi32>], vector<16xf32>,
    } else {
    }
    "tpu.region"() ({
      %run_scoped3A = tpu.sem_alloc : memref<!tpu.dma_semaphore, #tpu.memory_space<semaphore_mem>>
      %dma_start3A = arith.constant 0 : i32
      %dma_start3A_36 = tpu.memref_slice %arg6[%arg1, %dma_start3A] : memref<16x10240xf32, #tpu.memory_space<vmem_shared>> -> memref<1x10240xf32, #tpu.memory_space<vmem_shared>>
      %dma_start3A_37 = tpu.memref_squeeze %dma_start3A_36 : memref<1x10240xf32, #tpu.memory_space<vmem_shared>> -> memref<10240xf32, #tpu.memory_space<vmem_shared>>
      %dma_start3A_38 = arith.constant 0 : i32
      %dma_start3A_39 = tpu.memref_slice %arg6[%arg1, %dma_start3A_38] : memref<16x10240xf32, #tpu.memory_space<vmem_shared>> -> memref<1x10240xf32, #tpu.memory_space<vmem_shared>>
      %dma_start3A_40 = tpu.memref_squeeze %dma_start3A_39 : memref<1x10240xf32, #tpu.memory_space<vmem_shared>> -> memref<10240xf32, #tpu.memory_space<vmem_shared>>
      tpu.enqueue_dma source(%arg5 : memref<10240xf32, #tpu.memory_space<vmem>>) target(%dma_start3A_40 : memref<10240xf32, #tpu.memory_space<vmem_shared>>) target_semaphore(%run_scoped3A : memref<!tpu.dma_semaphore, #tpu.memory_space<semaphore_mem>>)
      %dma_wait3A = arith.constant 0 : i32
      %dma_wait3A_41 = tpu.memref_slice %arg6[%arg1, %dma_wait3A] : memref<16x10240xf32, #tpu.memory_space<vmem_shared>> -> memref<1x10240xf32, #tpu.memory_space<vmem_shared>>
      %dma_wait3A_42 = tpu.memref_squeeze %dma_wait3A_41 : memref<1x10240xf32, #tpu.memory_space<vmem_shared>> -> memref<10240xf32, #tpu.memory_space<vmem_shared>>
      %dma_wait3A_43 = arith.constant 0 : i32
      %dma_wait3A_44 = tpu.memref_slice %arg6[%arg1, %dma_wait3A_43] : memref<16x10240xf32, #tpu.memory_space<vmem_shared>> -> memref<1x10240xf32, #tpu.memory_space<vmem_shared>>
      %dma_wait3A_45 = tpu.memref_squeeze %dma_wait3A_44 : memref<1x10240xf32, #tpu.memory_space<vmem_shared>> -> memref<10240xf32, #tpu.memory_space<vmem_shared>>
      tpu.wait_dma2 semaphore(%run_scoped3A : memref<!tpu.dma_semaphore, #tpu.memory_space<semaphore_mem>>) src(%arg5 : memref<10240xf32, #tpu.memory_space<vmem>>) dst(%dma_wait3A_45 : memref<10240xf32, #tpu.memory_space<vmem_shared>>)
      tpu.yield
    }) : () -> ()
    %barrier3A = arith.constant 0 : index
    tpu.barrier barrier_id(%barrier3A)
    %mul3A_28 = arith.constant 640 : i32
    %mul3A_29 = arith.muli %arg1, %mul3A_28 : i32
    "tpu.region"() ({
      %run_scoped3A = tpu.sem_alloc : memref<!tpu.dma_semaphore, #tpu.memory_space<semaphore_mem>>
      %dma_start3A = arith.constant 0 : i32
      %dma_start3A_36 = tpu.memref_slice %arg6[%dma_start3A, %mul3A_29] : memref<16x10240xf32, #tpu.memory_space<vmem_shared>> -> memref<16x640xf32, #tpu.memory_space<vmem_shared>>
      %dma_start3A_37 = arith.constant 0 : i32
      %dma_start3A_38 = tpu.memref_slice %arg6[%dma_start3A_37, %mul3A_29] : memref<16x10240xf32, #tpu.memory_space<vmem_shared>> -> memref<16x640xf32, #tpu.memory_space<vmem_shared>>
      tpu.enqueue_dma source(%dma_start3A_38 : memref<16x640xf32, #tpu.memory_space<vmem_shared>>) target(%arg7 : memref<16x640xf32, #tpu.memory_space<vmem>>) target_semaphore(%run_scoped3A : memref<!tpu.dma_semaphore, #tpu.memory_space<semaphore_mem>>)
      %dma_wait3A = arith.constant 0 : i32
      %dma_wait3A_39 = tpu.memref_slice %arg6[%dma_wait3A, %mul3A_29] : memref<16x10240xf32, #tpu.memory_space<vmem_shared>> -> memref<16x640xf32, #tpu.memory_space<vmem_shared>>
      %dma_wait3A_40 = arith.constant 0 : i32
      %dma_wait3A_41 = tpu.memref_slice %arg6[%dma_wait3A_40, %mul3A_29] : memref<16x10240xf32, #tpu.memory_space<vmem_shared>> -> memref<16x640xf32, #tpu.memory_space<vmem_shared>>
      tpu.wait_dma2 semaphore(%run_scoped3A : memref<!tpu.dma_semaphore, #tpu.memory_space<semaphore_mem>>) src(%dma_wait3A_41 : memref<16x640xf32, #tpu.memory_space<vmem_shared>>) dst(%arg7 : memref<16x640xf32, #tpu.memory_space<vmem>>)
      tpu.yield
    }) : () -> ()
    %scan3A_30 = arith.constant 0 : i32
    %scan3A_31 = arith.constant 0 : i32
    %scan3A_32 = arith.constant 40 : i32
    %scan3A_33 = arith.addi %scan3A_31, %scan3A_32 : i32
    %scan3A_34 = arith.constant 1 : i32
    scf.for %scan3A_36 = %scan3A_31 to %scan3A_33 step %scan3A_34  : i32 {
      %mul3A_37 = arith.constant 16 : i32
      %mul3A_38 = arith.muli %scan3A_36, %mul3A_37 : i32
      %get3A = arith.constant 0 : i32
      %get3A_39 = arith.index_cast %get3A : i32 to index
      %get3A_40 = arith.index_cast %mul3A_38 : i32 to index
      %get3A_41 = tpu.vector_load %arg7[%get3A_39, %get3A_40] {strides = array<i32>} : memref<16x640xf32, #tpu.memory_space<vmem>>, vector<16xf32>,
      %get3A_42 = arith.constant 1 : i32
      %get3A_43 = arith.index_cast %get3A_42 : i32 to index
      %get3A_44 = arith.index_cast %mul3A_38 : i32 to index
      %get3A_45 = tpu.vector_load %arg7[%get3A_43, %get3A_44] {strides = array<i32>} : memref<16x640xf32, #tpu.memory_space<vmem>>, vector<16xf32>,
      %add3A_46 = arith.addf %get3A_41, %get3A_45 : vector<16xf32>
      %get3A_47 = arith.constant 2 : i32
      %get3A_48 = arith.index_cast %get3A_47 : i32 to index
      %get3A_49 = arith.index_cast %mul3A_38 : i32 to index
      %get3A_50 = tpu.vector_load %arg7[%get3A_48, %get3A_49] {strides = array<i32>} : memref<16x640xf32, #tpu.memory_space<vmem>>, vector<16xf32>,
      %add3A_51 = arith.addf %add3A_46, %get3A_50 : vector<16xf32>
      %get3A_52 = arith.constant 3 : i32
      %get3A_53 = arith.index_cast %get3A_52 : i32 to index
      %get3A_54 = arith.index_cast %mul3A_38 : i32 to index
      %get3A_55 = tpu.vector_load %arg7[%get3A_53, %get3A_54] {strides = array<i32>} : memref<16x640xf32, #tpu.memory_space<vmem>>, vector<16xf32>,
      %add3A_56 = arith.addf %add3A_51, %get3A_55 : vector<16xf32>
      %get3A_57 = arith.constant 4 : i32
      %get3A_58 = arith.index_cast %get3A_57 : i32 to index
      %get3A_59 = arith.index_cast %mul3A_38 : i32 to index
      %get3A_60 = tpu.vector_load %arg7[%get3A_58, %get3A_59] {strides = array<i32>} : memref<16x640xf32, #tpu.memory_space<vmem>>, vector<16xf32>,
      %add3A_61 = arith.addf %add3A_56, %get3A_60 : vector<16xf32>
      %get3A_62 = arith.constant 5 : i32
      %get3A_63 = arith.index_cast %get3A_62 : i32 to index
      %get3A_64 = arith.index_cast %mul3A_38 : i32 to index
      %get3A_65 = tpu.vector_load %arg7[%get3A_63, %get3A_64] {strides = array<i32>} : memref<16x640xf32, #tpu.memory_space<vmem>>, vector<16xf32>,
      %add3A_66 = arith.addf %add3A_61, %get3A_65 : vector<16xf32>
      %get3A_67 = arith.constant 6 : i32
      %get3A_68 = arith.index_cast %get3A_67 : i32 to index
      %get3A_69 = arith.index_cast %mul3A_38 : i32 to index
      %get3A_70 = tpu.vector_load %arg7[%get3A_68, %get3A_69] {strides = array<i32>} : memref<16x640xf32, #tpu.memory_space<vmem>>, vector<16xf32>,
      %add3A_71 = arith.addf %add3A_66, %get3A_70 : vector<16xf32>
      %get3A_72 = arith.constant 7 : i32
      %get3A_73 = arith.index_cast %get3A_72 : i32 to index
      %get3A_74 = arith.index_cast %mul3A_38 : i32 to index
      %get3A_75 = tpu.vector_load %arg7[%get3A_73, %get3A_74] {strides = array<i32>} : memref<16x640xf32, #tpu.memory_space<vmem>>, vector<16xf32>,
      %add3A_76 = arith.addf %add3A_71, %get3A_75 : vector<16xf32>
      %get3A_77 = arith.constant 8 : i32
      %get3A_78 = arith.index_cast %get3A_77 : i32 to index
      %get3A_79 = arith.index_cast %mul3A_38 : i32 to index
      %get3A_80 = tpu.vector_load %arg7[%get3A_78, %get3A_79] {strides = array<i32>} : memref<16x640xf32, #tpu.memory_space<vmem>>, vector<16xf32>,
      %add3A_81 = arith.addf %add3A_76, %get3A_80 : vector<16xf32>
      %get3A_82 = arith.constant 9 : i32
      %get3A_83 = arith.index_cast %get3A_82 : i32 to index
      %get3A_84 = arith.index_cast %mul3A_38 : i32 to index
      %get3A_85 = tpu.vector_load %arg7[%get3A_83, %get3A_84] {strides = array<i32>} : memref<16x640xf32, #tpu.memory_space<vmem>>, vector<16xf32>,
      %add3A_86 = arith.addf %add3A_81, %get3A_85 : vector<16xf32>
      %get3A_87 = arith.constant 10 : i32
      %get3A_88 = arith.index_cast %get3A_87 : i32 to index
      %get3A_89 = arith.index_cast %mul3A_38 : i32 to index
      %get3A_90 = tpu.vector_load %arg7[%get3A_88, %get3A_89] {strides = array<i32>} : memref<16x640xf32, #tpu.memory_space<vmem>>, vector<16xf32>,
      %add3A_91 = arith.addf %add3A_86, %get3A_90 : vector<16xf32>
      %get3A_92 = arith.constant 11 : i32
      %get3A_93 = arith.index_cast %get3A_92 : i32 to index
      %get3A_94 = arith.index_cast %mul3A_38 : i32 to index
      %get3A_95 = tpu.vector_load %arg7[%get3A_93, %get3A_94] {strides = array<i32>} : memref<16x640xf32, #tpu.memory_space<vmem>>, vector<16xf32>,
      %add3A_96 = arith.addf %add3A_91, %get3A_95 : vector<16xf32>
      %get3A_97 = arith.constant 12 : i32
      %get3A_98 = arith.index_cast %get3A_97 : i32 to index
      %get3A_99 = arith.index_cast %mul3A_38 : i32 to index
      %get3A_100 = tpu.vector_load %arg7[%get3A_98, %get3A_99] {strides = array<i32>} : memref<16x640xf32, #tpu.memory_space<vmem>>, vector<16xf32>,
      %add3A_101 = arith.addf %add3A_96, %get3A_100 : vector<16xf32>
      %get3A_102 = arith.constant 13 : i32
      %get3A_103 = arith.index_cast %get3A_102 : i32 to index
      %get3A_104 = arith.index_cast %mul3A_38 : i32 to index
      %get3A_105 = tpu.vector_load %arg7[%get3A_103, %get3A_104] {strides = array<i32>} : memref<16x640xf32, #tpu.memory_space<vmem>>, vector<16xf32>,
      %add3A_106 = arith.addf %add3A_101, %get3A_105 : vector<16xf32>
      %get3A_107 = arith.constant 14 : i32
      %get3A_108 = arith.index_cast %get3A_107 : i32 to index
      %get3A_109 = arith.index_cast %mul3A_38 : i32 to index
      %get3A_110 = tpu.vector_load %arg7[%get3A_108, %get3A_109] {strides = array<i32>} : memref<16x640xf32, #tpu.memory_space<vmem>>, vector<16xf32>,
      %add3A_111 = arith.addf %add3A_106, %get3A_110 : vector<16xf32>
      %get3A_112 = arith.constant 15 : i32
      %get3A_113 = arith.index_cast %get3A_112 : i32 to index
      %get3A_114 = arith.index_cast %mul3A_38 : i32 to index
      %get3A_115 = tpu.vector_load %arg7[%get3A_113, %get3A_114] {strides = array<i32>} : memref<16x640xf32, #tpu.memory_space<vmem>>, vector<16xf32>,
      %add3A_116 = arith.addf %add3A_111, %get3A_115 : vector<16xf32>
      %add3A_117 = arith.addi %mul3A_29, %mul3A_38 : i32
      %swap3A = arith.index_cast %add3A_117 : i32 to index
      %swap3A_118 = tpu.vector_load %arg5[%swap3A] {strides = array<i32>} : memref<10240xf32, #tpu.memory_space<vmem>>, vector<16xf32>,
      tpu.vector_store %arg5[%swap3A], %add3A_116 {strides = array<i32>} : memref<10240xf32, #tpu.memory_space<vmem>>, vector<16xf32>,
    }
    %scan3A_35 = arith.constant 40 : i32
    "tpu.region"() ({
      %run_scoped3A = tpu.sem_alloc : memref<!tpu.dma_semaphore, #tpu.memory_space<semaphore_mem>>
      %dma_start3A = tpu.memref_slice %arg5[%mul3A_29] : memref<10240xf32, #tpu.memory_space<vmem>> -> memref<640xf32, #tpu.memory_space<vmem>>
      %dma_start3A_36 = tpu.memref_slice %arg3[%arg0, %mul3A_29] : memref<2x10240xf32, #tpu.memory_space<hbm>> -> memref<1x640xf32, #tpu.memory_space<hbm>>
      %dma_start3A_37 = tpu.memref_squeeze %dma_start3A_36 : memref<1x640xf32, #tpu.memory_space<hbm>> -> memref<640xf32, #tpu.memory_space<hbm>>
      %dma_start3A_38 = tpu.memref_slice %arg3[%arg0, %mul3A_29] : memref<2x10240xf32, #tpu.memory_space<hbm>> -> memref<1x640xf32, #tpu.memory_space<hbm>>
      %dma_start3A_39 = tpu.memref_squeeze %dma_start3A_38 : memref<1x640xf32, #tpu.memory_space<hbm>> -> memref<640xf32, #tpu.memory_space<hbm>>
      %dma_start3A_40 = tpu.memref_slice %arg5[%mul3A_29] : memref<10240xf32, #tpu.memory_space<vmem>> -> memref<640xf32, #tpu.memory_space<vmem>>
      tpu.enqueue_dma source(%dma_start3A_40 : memref<640xf32, #tpu.memory_space<vmem>>) target(%dma_start3A_39 : memref<640xf32, #tpu.memory_space<hbm>>) target_semaphore(%run_scoped3A : memref<!tpu.dma_semaphore, #tpu.memory_space<semaphore_mem>>)
      %dma_wait3A = tpu.memref_slice %arg5[%mul3A_29] : memref<10240xf32, #tpu.memory_space<vmem>> -> memref<640xf32, #tpu.memory_space<vmem>>
      %dma_wait3A_41 = tpu.memref_slice %arg3[%arg0, %mul3A_29] : memref<2x10240xf32, #tpu.memory_space<hbm>> -> memref<1x640xf32, #tpu.memory_space<hbm>>
      %dma_wait3A_42 = tpu.memref_squeeze %dma_wait3A_41 : memref<1x640xf32, #tpu.memory_space<hbm>> -> memref<640xf32, #tpu.memory_space<hbm>>
      %dma_wait3A_43 = tpu.memref_slice %arg3[%arg0, %mul3A_29] : memref<2x10240xf32, #tpu.memory_space<hbm>> -> memref<1x640xf32, #tpu.memory_space<hbm>>
      %dma_wait3A_44 = tpu.memref_squeeze %dma_wait3A_43 : memref<1x640xf32, #tpu.memory_space<hbm>> -> memref<640xf32, #tpu.memory_space<hbm>>
      %dma_wait3A_45 = tpu.memref_slice %arg5[%mul3A_29] : memref<10240xf32, #tpu.memory_space<vmem>> -> memref<640xf32, #tpu.memory_space<vmem>>
      tpu.wait_dma2 semaphore(%run_scoped3A : memref<!tpu.dma_semaphore, #tpu.memory_space<semaphore_mem>>) src(%dma_wait3A_45 : memref<640xf32, #tpu.memory_space<vmem>>) dst(%dma_wait3A_44 : memref<640xf32, #tpu.memory_space<hbm>>)
      tpu.yield
    }) : () -> ()
    return
  }
}

#map = affine_map<(d0, d1) -> (0, 0)>
#map1 = affine_map<(d0, d1) -> (0)>
module attributes {stable_mosaic.version = 14 : i64} {
  func.func @_sc_message(%arg0: i32, %arg1: i32, %arg2: memref<2x320000xi32, #tpu.memory_space<hbm>>, %arg3: memref<10240xf32, #tpu.memory_space<hbm>>, %arg4: memref<2x10240xf32, #tpu.memory_space<hbm>>, %arg5: memref<2x10112xi32, #tpu.memory_space<vmem>>, %arg6: memref<10240xf32, #tpu.memory_space<vmem>>, %arg7: memref<10240xf32, #tpu.memory_space<vmem>>, %arg8: memref<16x10240xf32, #tpu.memory_space<vmem_shared>>, %arg9: memref<16x640xf32, #tpu.memory_space<vmem>>) attributes {dimension_semantics = [#tpu.dimension_semantics<core_parallel>, #tpu.dimension_semantics<subcore_parallel>], iteration_bounds = array<i64: 2, 16>, scalar_prefetch = 0 : i64, scratch_operands = 5 : i64, tpu.core_type = #tpu.core_type<sc_vector_subcore>, window_params = [{transform_indices = #map}, {transform_indices = #map1}, {transform_indices = #map}]} {
    %mul3A = arith.constant 2 : i32
    %mul3A_0 = arith.muli %arg1, %mul3A : i32
    %add3A = arith.addi %mul3A_0, %arg0 : i32
    "tpu.region"() ({
      %run_scoped3A = tpu.sem_alloc : memref<!tpu.dma_semaphore, #tpu.memory_space<semaphore_mem>>
      tpu.enqueue_dma source(%arg3 : memref<10240xf32, #tpu.memory_space<hbm>>) target(%arg6 : memref<10240xf32, #tpu.memory_space<vmem>>) target_semaphore(%run_scoped3A : memref<!tpu.dma_semaphore, #tpu.memory_space<semaphore_mem>>)
      tpu.wait_dma2 semaphore(%run_scoped3A : memref<!tpu.dma_semaphore, #tpu.memory_space<semaphore_mem>>) src(%arg3 : memref<10240xf32, #tpu.memory_space<hbm>>) dst(%arg6 : memref<10240xf32, #tpu.memory_space<vmem>>)
      tpu.yield
    }) : () -> ()
    %mul3A_1 = arith.constant 78 : i32
    %mul3A_2 = arith.muli %mul3A_1, %add3A : i32
    %min3A = arith.constant 4 : i32
    %min3A_3 = arith.minsi %add3A, %min3A : i32
    %add3A_4 = arith.addi %mul3A_2, %min3A_3 : i32
    %mul3A_5 = arith.constant 128 : i32
    %mul3A_6 = arith.muli %add3A_4, %mul3A_5 : i32
    %multiple_of3A = tpu.assume_multiple %mul3A_6, 128 : i32
    %lt3A = arith.constant 4 : i32
    %lt3A_7 = arith.cmpi slt, %add3A, %lt3A : i32
    %convert_element_type3A = arith.extui %lt3A_7 : i1 to i32
    %cond3A = arith.constant 0 : i32
    %cond3A_8 = arith.cmpi ne, %convert_element_type3A, %cond3A : i32
    scf.if %cond3A_8 {
      "tpu.region"() ({
        %run_scoped3A = tpu.sem_alloc : memref<!tpu.dma_semaphore, #tpu.memory_space<semaphore_mem>>
        %dma_start3A = arith.constant 0 : i32
        %dma_start3A_34 = tpu.memref_slice %arg2[%dma_start3A, %multiple_of3A] : memref<2x320000xi32, #tpu.memory_space<hbm>> -> memref<2x10112xi32, #tpu.memory_space<hbm>>
        %dma_start3A_35 = arith.constant 0 : i32
        %dma_start3A_36 = tpu.memref_slice %arg2[%dma_start3A_35, %multiple_of3A] : memref<2x320000xi32, #tpu.memory_space<hbm>> -> memref<2x10112xi32, #tpu.memory_space<hbm>>
        tpu.enqueue_dma source(%dma_start3A_36 : memref<2x10112xi32, #tpu.memory_space<hbm>>) target(%arg5 : memref<2x10112xi32, #tpu.memory_space<vmem>>) target_semaphore(%run_scoped3A : memref<!tpu.dma_semaphore, #tpu.memory_space<semaphore_mem>>)
        %dma_wait3A = arith.constant 0 : i32
        %dma_wait3A_37 = tpu.memref_slice %arg2[%dma_wait3A, %multiple_of3A] : memref<2x320000xi32, #tpu.memory_space<hbm>> -> memref<2x10112xi32, #tpu.memory_space<hbm>>
        %dma_wait3A_38 = arith.constant 0 : i32
        %dma_wait3A_39 = tpu.memref_slice %arg2[%dma_wait3A_38, %multiple_of3A] : memref<2x320000xi32, #tpu.memory_space<hbm>> -> memref<2x10112xi32, #tpu.memory_space<hbm>>
        tpu.wait_dma2 semaphore(%run_scoped3A : memref<!tpu.dma_semaphore, #tpu.memory_space<semaphore_mem>>) src(%dma_wait3A_39 : memref<2x10112xi32, #tpu.memory_space<hbm>>) dst(%arg5 : memref<2x10112xi32, #tpu.memory_space<vmem>>)
        tpu.yield
      }) : () -> ()
    } else {
    }
    %ge3A = arith.constant 4 : i32
    %ge3A_9 = arith.cmpi sge, %add3A, %ge3A : i32
    %convert_element_type3A_10 = arith.extui %ge3A_9 : i1 to i32
    %cond3A_11 = arith.constant 0 : i32
    %cond3A_12 = arith.cmpi ne, %convert_element_type3A_10, %cond3A_11 : i32
    scf.if %cond3A_12 {
      "tpu.region"() ({
        %run_scoped3A = tpu.sem_alloc : memref<!tpu.dma_semaphore, #tpu.memory_space<semaphore_mem>>
        %dma_start3A = arith.constant 0 : i32
        %dma_start3A_34 = arith.constant 0 : i32
        %dma_start3A_35 = tpu.memref_slice %arg5[%dma_start3A, %dma_start3A_34] : memref<2x10112xi32, #tpu.memory_space<vmem>> -> memref<2x9984xi32, #tpu.memory_space<vmem>>
        %dma_start3A_36 = arith.constant 0 : i32
        %dma_start3A_37 = tpu.memref_slice %arg2[%dma_start3A_36, %multiple_of3A] : memref<2x320000xi32, #tpu.memory_space<hbm>> -> memref<2x9984xi32, #tpu.memory_space<hbm>>
        %dma_start3A_38 = arith.constant 0 : i32
        %dma_start3A_39 = arith.constant 0 : i32
        %dma_start3A_40 = tpu.memref_slice %arg5[%dma_start3A_38, %dma_start3A_39] : memref<2x10112xi32, #tpu.memory_space<vmem>> -> memref<2x9984xi32, #tpu.memory_space<vmem>>
        %dma_start3A_41 = arith.constant 0 : i32
        %dma_start3A_42 = tpu.memref_slice %arg2[%dma_start3A_41, %multiple_of3A] : memref<2x320000xi32, #tpu.memory_space<hbm>> -> memref<2x9984xi32, #tpu.memory_space<hbm>>
        tpu.enqueue_dma source(%dma_start3A_42 : memref<2x9984xi32, #tpu.memory_space<hbm>>) target(%dma_start3A_40 : memref<2x9984xi32, #tpu.memory_space<vmem>>) target_semaphore(%run_scoped3A : memref<!tpu.dma_semaphore, #tpu.memory_space<semaphore_mem>>)
        %dma_wait3A = arith.constant 0 : i32
        %dma_wait3A_43 = arith.constant 0 : i32
        %dma_wait3A_44 = tpu.memref_slice %arg5[%dma_wait3A, %dma_wait3A_43] : memref<2x10112xi32, #tpu.memory_space<vmem>> -> memref<2x9984xi32, #tpu.memory_space<vmem>>
        %dma_wait3A_45 = arith.constant 0 : i32
        %dma_wait3A_46 = tpu.memref_slice %arg2[%dma_wait3A_45, %multiple_of3A] : memref<2x320000xi32, #tpu.memory_space<hbm>> -> memref<2x9984xi32, #tpu.memory_space<hbm>>
        %dma_wait3A_47 = arith.constant 0 : i32
        %dma_wait3A_48 = arith.constant 0 : i32
        %dma_wait3A_49 = tpu.memref_slice %arg5[%dma_wait3A_47, %dma_wait3A_48] : memref<2x10112xi32, #tpu.memory_space<vmem>> -> memref<2x9984xi32, #tpu.memory_space<vmem>>
        %dma_wait3A_50 = arith.constant 0 : i32
        %dma_wait3A_51 = tpu.memref_slice %arg2[%dma_wait3A_50, %multiple_of3A] : memref<2x320000xi32, #tpu.memory_space<hbm>> -> memref<2x9984xi32, #tpu.memory_space<hbm>>
        tpu.wait_dma2 semaphore(%run_scoped3A : memref<!tpu.dma_semaphore, #tpu.memory_space<semaphore_mem>>) src(%dma_wait3A_51 : memref<2x9984xi32, #tpu.memory_space<hbm>>) dst(%dma_wait3A_49 : memref<2x9984xi32, #tpu.memory_space<vmem>>)
        tpu.yield
      }) : () -> ()
    } else {
    }
    %broadcast_in_dim3A = arith.constant 0.000000e+00 : f32
    %broadcast_in_dim3A_13 = vector.broadcast %broadcast_in_dim3A : f32 to vector<16xf32>
    %scan3A = arith.constant 0 : i32
    %scan3A_14 = arith.constant 0 : i32
    %scan3A_15 = arith.constant 80 : i32
    %scan3A_16 = arith.addi %scan3A_14, %scan3A_15 : i32
    %scan3A_17 = arith.constant 1 : i32
    scf.for %scan3A_34 = %scan3A_14 to %scan3A_16 step %scan3A_17  : i32 {
      %mul3A_35 = arith.constant 128 : i32
      %mul3A_36 = arith.muli %scan3A_34, %mul3A_35 : i32
      %add3A_37 = arith.constant 0 : i32
      %add3A_38 = arith.addi %mul3A_36, %add3A_37 : i32
      %swap3A = arith.index_cast %add3A_38 : i32 to index
      %swap3A_39 = tpu.vector_load %arg7[%swap3A] {strides = array<i32>} : memref<10240xf32, #tpu.memory_space<vmem>>, vector<16xf32>,
      tpu.vector_store %arg7[%swap3A], %broadcast_in_dim3A_13 {strides = array<i32>} : memref<10240xf32, #tpu.memory_space<vmem>>, vector<16xf32>,
      %add3A_40 = arith.constant 16 : i32
      %add3A_41 = arith.addi %mul3A_36, %add3A_40 : i32
      %swap3A_42 = arith.index_cast %add3A_41 : i32 to index
      %swap3A_43 = tpu.vector_load %arg7[%swap3A_42] {strides = array<i32>} : memref<10240xf32, #tpu.memory_space<vmem>>, vector<16xf32>,
      tpu.vector_store %arg7[%swap3A_42], %broadcast_in_dim3A_13 {strides = array<i32>} : memref<10240xf32, #tpu.memory_space<vmem>>, vector<16xf32>,
      %add3A_44 = arith.constant 32 : i32
      %add3A_45 = arith.addi %mul3A_36, %add3A_44 : i32
      %swap3A_46 = arith.index_cast %add3A_45 : i32 to index
      %swap3A_47 = tpu.vector_load %arg7[%swap3A_46] {strides = array<i32>} : memref<10240xf32, #tpu.memory_space<vmem>>, vector<16xf32>,
      tpu.vector_store %arg7[%swap3A_46], %broadcast_in_dim3A_13 {strides = array<i32>} : memref<10240xf32, #tpu.memory_space<vmem>>, vector<16xf32>,
      %add3A_48 = arith.constant 48 : i32
      %add3A_49 = arith.addi %mul3A_36, %add3A_48 : i32
      %swap3A_50 = arith.index_cast %add3A_49 : i32 to index
      %swap3A_51 = tpu.vector_load %arg7[%swap3A_50] {strides = array<i32>} : memref<10240xf32, #tpu.memory_space<vmem>>, vector<16xf32>,
      tpu.vector_store %arg7[%swap3A_50], %broadcast_in_dim3A_13 {strides = array<i32>} : memref<10240xf32, #tpu.memory_space<vmem>>, vector<16xf32>,
      %add3A_52 = arith.constant 64 : i32
      %add3A_53 = arith.addi %mul3A_36, %add3A_52 : i32
      %swap3A_54 = arith.index_cast %add3A_53 : i32 to index
      %swap3A_55 = tpu.vector_load %arg7[%swap3A_54] {strides = array<i32>} : memref<10240xf32, #tpu.memory_space<vmem>>, vector<16xf32>,
      tpu.vector_store %arg7[%swap3A_54], %broadcast_in_dim3A_13 {strides = array<i32>} : memref<10240xf32, #tpu.memory_space<vmem>>, vector<16xf32>,
      %add3A_56 = arith.constant 80 : i32
      %add3A_57 = arith.addi %mul3A_36, %add3A_56 : i32
      %swap3A_58 = arith.index_cast %add3A_57 : i32 to index
      %swap3A_59 = tpu.vector_load %arg7[%swap3A_58] {strides = array<i32>} : memref<10240xf32, #tpu.memory_space<vmem>>, vector<16xf32>,
      tpu.vector_store %arg7[%swap3A_58], %broadcast_in_dim3A_13 {strides = array<i32>} : memref<10240xf32, #tpu.memory_space<vmem>>, vector<16xf32>,
      %add3A_60 = arith.constant 96 : i32
      %add3A_61 = arith.addi %mul3A_36, %add3A_60 : i32
      %swap3A_62 = arith.index_cast %add3A_61 : i32 to index
      %swap3A_63 = tpu.vector_load %arg7[%swap3A_62] {strides = array<i32>} : memref<10240xf32, #tpu.memory_space<vmem>>, vector<16xf32>,
      tpu.vector_store %arg7[%swap3A_62], %broadcast_in_dim3A_13 {strides = array<i32>} : memref<10240xf32, #tpu.memory_space<vmem>>, vector<16xf32>,
      %add3A_64 = arith.constant 112 : i32
      %add3A_65 = arith.addi %mul3A_36, %add3A_64 : i32
      %swap3A_66 = arith.index_cast %add3A_65 : i32 to index
      %swap3A_67 = tpu.vector_load %arg7[%swap3A_66] {strides = array<i32>} : memref<10240xf32, #tpu.memory_space<vmem>>, vector<16xf32>,
      tpu.vector_store %arg7[%swap3A_66], %broadcast_in_dim3A_13 {strides = array<i32>} : memref<10240xf32, #tpu.memory_space<vmem>>, vector<16xf32>,
    }
    %scan3A_18 = arith.constant 80 : i32
    %parallel_loop3A = arith.constant 0 : i32
    %parallel_loop3A_19 = arith.constant 624 : i32
    %parallel_loop3A_20 = arith.constant 1 : i32
    scf.for %parallel_loop3A_34 = %parallel_loop3A to %parallel_loop3A_19 step %parallel_loop3A_20  : i32 {
      %parallel_loop3A_35 = arith.constant 16 : i32
      %parallel_loop3A_36 = arith.muli %parallel_loop3A_34, %parallel_loop3A_35 : i32
      %parallel_loop3A_37 = arith.constant 0 : i32
      %parallel_loop3A_38 = arith.index_cast %parallel_loop3A_37 : i32 to index
      %parallel_loop3A_39 = arith.index_cast %parallel_loop3A_36 : i32 to index
      %parallel_loop3A_40 = tpu.vector_load %arg5[%parallel_loop3A_38, %parallel_loop3A_39] {strides = array<i32>} : memref<2x10112xi32, #tpu.memory_space<vmem>>, vector<16xi32>,
      %parallel_loop3A_41 = arith.constant 16 : i32
      %parallel_loop3A_42 = arith.muli %parallel_loop3A_34, %parallel_loop3A_41 : i32
      %parallel_loop3A_43 = arith.constant 1 : i32
      %parallel_loop3A_44 = arith.index_cast %parallel_loop3A_43 : i32 to index
      %parallel_loop3A_45 = arith.index_cast %parallel_loop3A_42 : i32 to index
      %parallel_loop3A_46 = tpu.vector_load %arg5[%parallel_loop3A_44, %parallel_loop3A_45] {strides = array<i32>} : memref<2x10112xi32, #tpu.memory_space<vmem>>, vector<16xi32>,
      %parallel_loop3A_47 = tpu.vector_load_idx %arg6[%parallel_loop3A_40] : memref<10240xf32, #tpu.memory_space<vmem>>[vector<16xi32>], vector<16xf32>,
      tpu.vector_store_idx %arg7[%parallel_loop3A_46], %parallel_loop3A_47 {add = true} : memref<10240xf32, #tpu.memory_space<vmem>>[vector<16xi32>], vector<16xf32>,
    } {sc.loop_unroll_factor = 24 : i64, sc.parallel_access}
    %lt3A_21 = arith.constant 4 : i32
    %lt3A_22 = arith.cmpi slt, %add3A, %lt3A_21 : i32
    %convert_element_type3A_23 = arith.extui %lt3A_22 : i1 to i32
    %cond3A_24 = arith.constant 0 : i32
    %cond3A_25 = arith.cmpi ne, %convert_element_type3A_23, %cond3A_24 : i32
    scf.if %cond3A_25 {
      %get3A = arith.constant 0 : i32
      %get3A_34 = arith.index_cast %get3A : i32 to index
      %get3A_35 = arith.constant 9984 : index
      %get3A_36 = tpu.vector_load %arg5[%get3A_34, %get3A_35] {strides = array<i32>} : memref<2x10112xi32, #tpu.memory_space<vmem>>, vector<16xi32>,
      %get3A_37 = arith.constant 1 : i32
      %get3A_38 = arith.index_cast %get3A_37 : i32 to index
      %get3A_39 = arith.constant 9984 : index
      %get3A_40 = tpu.vector_load %arg5[%get3A_38, %get3A_39] {strides = array<i32>} : memref<2x10112xi32, #tpu.memory_space<vmem>>, vector<16xi32>,
      %gather3A = tpu.vector_load_idx %arg6[%get3A_36] : memref<10240xf32, #tpu.memory_space<vmem>>[vector<16xi32>], vector<16xf32>,
      tpu.vector_store_idx %arg7[%get3A_40], %gather3A {add = true} : memref<10240xf32, #tpu.memory_space<vmem>>[vector<16xi32>], vector<16xf32>,
      %get3A_41 = arith.constant 0 : i32
      %get3A_42 = arith.index_cast %get3A_41 : i32 to index
      %get3A_43 = arith.constant 10000 : index
      %get3A_44 = tpu.vector_load %arg5[%get3A_42, %get3A_43] {strides = array<i32>} : memref<2x10112xi32, #tpu.memory_space<vmem>>, vector<16xi32>,
      %get3A_45 = arith.constant 1 : i32
      %get3A_46 = arith.index_cast %get3A_45 : i32 to index
      %get3A_47 = arith.constant 10000 : index
      %get3A_48 = tpu.vector_load %arg5[%get3A_46, %get3A_47] {strides = array<i32>} : memref<2x10112xi32, #tpu.memory_space<vmem>>, vector<16xi32>,
      %gather3A_49 = tpu.vector_load_idx %arg6[%get3A_44] : memref<10240xf32, #tpu.memory_space<vmem>>[vector<16xi32>], vector<16xf32>,
      tpu.vector_store_idx %arg7[%get3A_48], %gather3A_49 {add = true} : memref<10240xf32, #tpu.memory_space<vmem>>[vector<16xi32>], vector<16xf32>,
      %get3A_50 = arith.constant 0 : i32
      %get3A_51 = arith.index_cast %get3A_50 : i32 to index
      %get3A_52 = arith.constant 10016 : index
      %get3A_53 = tpu.vector_load %arg5[%get3A_51, %get3A_52] {strides = array<i32>} : memref<2x10112xi32, #tpu.memory_space<vmem>>, vector<16xi32>,
      %get3A_54 = arith.constant 1 : i32
      %get3A_55 = arith.index_cast %get3A_54 : i32 to index
      %get3A_56 = arith.constant 10016 : index
      %get3A_57 = tpu.vector_load %arg5[%get3A_55, %get3A_56] {strides = array<i32>} : memref<2x10112xi32, #tpu.memory_space<vmem>>, vector<16xi32>,
      %gather3A_58 = tpu.vector_load_idx %arg6[%get3A_53] : memref<10240xf32, #tpu.memory_space<vmem>>[vector<16xi32>], vector<16xf32>,
      tpu.vector_store_idx %arg7[%get3A_57], %gather3A_58 {add = true} : memref<10240xf32, #tpu.memory_space<vmem>>[vector<16xi32>], vector<16xf32>,
      %get3A_59 = arith.constant 0 : i32
      %get3A_60 = arith.index_cast %get3A_59 : i32 to index
      %get3A_61 = arith.constant 10032 : index
      %get3A_62 = tpu.vector_load %arg5[%get3A_60, %get3A_61] {strides = array<i32>} : memref<2x10112xi32, #tpu.memory_space<vmem>>, vector<16xi32>,
      %get3A_63 = arith.constant 1 : i32
      %get3A_64 = arith.index_cast %get3A_63 : i32 to index
      %get3A_65 = arith.constant 10032 : index
      %get3A_66 = tpu.vector_load %arg5[%get3A_64, %get3A_65] {strides = array<i32>} : memref<2x10112xi32, #tpu.memory_space<vmem>>, vector<16xi32>,
      %gather3A_67 = tpu.vector_load_idx %arg6[%get3A_62] : memref<10240xf32, #tpu.memory_space<vmem>>[vector<16xi32>], vector<16xf32>,
      tpu.vector_store_idx %arg7[%get3A_66], %gather3A_67 {add = true} : memref<10240xf32, #tpu.memory_space<vmem>>[vector<16xi32>], vector<16xf32>,
      %get3A_68 = arith.constant 0 : i32
      %get3A_69 = arith.index_cast %get3A_68 : i32 to index
      %get3A_70 = arith.constant 10048 : index
      %get3A_71 = tpu.vector_load %arg5[%get3A_69, %get3A_70] {strides = array<i32>} : memref<2x10112xi32, #tpu.memory_space<vmem>>, vector<16xi32>,
      %get3A_72 = arith.constant 1 : i32
      %get3A_73 = arith.index_cast %get3A_72 : i32 to index
      %get3A_74 = arith.constant 10048 : index
      %get3A_75 = tpu.vector_load %arg5[%get3A_73, %get3A_74] {strides = array<i32>} : memref<2x10112xi32, #tpu.memory_space<vmem>>, vector<16xi32>,
      %gather3A_76 = tpu.vector_load_idx %arg6[%get3A_71] : memref<10240xf32, #tpu.memory_space<vmem>>[vector<16xi32>], vector<16xf32>,
      tpu.vector_store_idx %arg7[%get3A_75], %gather3A_76 {add = true} : memref<10240xf32, #tpu.memory_space<vmem>>[vector<16xi32>], vector<16xf32>,
      %get3A_77 = arith.constant 0 : i32
      %get3A_78 = arith.index_cast %get3A_77 : i32 to index
      %get3A_79 = arith.constant 10064 : index
      %get3A_80 = tpu.vector_load %arg5[%get3A_78, %get3A_79] {strides = array<i32>} : memref<2x10112xi32, #tpu.memory_space<vmem>>, vector<16xi32>,
      %get3A_81 = arith.constant 1 : i32
      %get3A_82 = arith.index_cast %get3A_81 : i32 to index
      %get3A_83 = arith.constant 10064 : index
      %get3A_84 = tpu.vector_load %arg5[%get3A_82, %get3A_83] {strides = array<i32>} : memref<2x10112xi32, #tpu.memory_space<vmem>>, vector<16xi32>,
      %gather3A_85 = tpu.vector_load_idx %arg6[%get3A_80] : memref<10240xf32, #tpu.memory_space<vmem>>[vector<16xi32>], vector<16xf32>,
      tpu.vector_store_idx %arg7[%get3A_84], %gather3A_85 {add = true} : memref<10240xf32, #tpu.memory_space<vmem>>[vector<16xi32>], vector<16xf32>,
      %get3A_86 = arith.constant 0 : i32
      %get3A_87 = arith.index_cast %get3A_86 : i32 to index
      %get3A_88 = arith.constant 10080 : index
      %get3A_89 = tpu.vector_load %arg5[%get3A_87, %get3A_88] {strides = array<i32>} : memref<2x10112xi32, #tpu.memory_space<vmem>>, vector<16xi32>,
      %get3A_90 = arith.constant 1 : i32
      %get3A_91 = arith.index_cast %get3A_90 : i32 to index
      %get3A_92 = arith.constant 10080 : index
      %get3A_93 = tpu.vector_load %arg5[%get3A_91, %get3A_92] {strides = array<i32>} : memref<2x10112xi32, #tpu.memory_space<vmem>>, vector<16xi32>,
      %gather3A_94 = tpu.vector_load_idx %arg6[%get3A_89] : memref<10240xf32, #tpu.memory_space<vmem>>[vector<16xi32>], vector<16xf32>,
      tpu.vector_store_idx %arg7[%get3A_93], %gather3A_94 {add = true} : memref<10240xf32, #tpu.memory_space<vmem>>[vector<16xi32>], vector<16xf32>,
      %get3A_95 = arith.constant 0 : i32
      %get3A_96 = arith.index_cast %get3A_95 : i32 to index
      %get3A_97 = arith.constant 10096 : index
      %get3A_98 = tpu.vector_load %arg5[%get3A_96, %get3A_97] {strides = array<i32>} : memref<2x10112xi32, #tpu.memory_space<vmem>>, vector<16xi32>,
      %get3A_99 = arith.constant 1 : i32
      %get3A_100 = arith.index_cast %get3A_99 : i32 to index
      %get3A_101 = arith.constant 10096 : index
      %get3A_102 = tpu.vector_load %arg5[%get3A_100, %get3A_101] {strides = array<i32>} : memref<2x10112xi32, #tpu.memory_space<vmem>>, vector<16xi32>,
      %gather3A_103 = tpu.vector_load_idx %arg6[%get3A_98] : memref<10240xf32, #tpu.memory_space<vmem>>[vector<16xi32>], vector<16xf32>,
      tpu.vector_store_idx %arg7[%get3A_102], %gather3A_103 {add = true} : memref<10240xf32, #tpu.memory_space<vmem>>[vector<16xi32>], vector<16xf32>,
    } else {
    }
    "tpu.region"() ({
      %run_scoped3A = tpu.sem_alloc : memref<!tpu.dma_semaphore, #tpu.memory_space<semaphore_mem>>
      %dma_start3A = arith.constant 0 : i32
      %dma_start3A_34 = tpu.memref_slice %arg8[%arg1, %dma_start3A] : memref<16x10240xf32, #tpu.memory_space<vmem_shared>> -> memref<1x10240xf32, #tpu.memory_space<vmem_shared>>
      %dma_start3A_35 = tpu.memref_squeeze %dma_start3A_34 : memref<1x10240xf32, #tpu.memory_space<vmem_shared>> -> memref<10240xf32, #tpu.memory_space<vmem_shared>>
      %dma_start3A_36 = arith.constant 0 : i32
      %dma_start3A_37 = tpu.memref_slice %arg8[%arg1, %dma_start3A_36] : memref<16x10240xf32, #tpu.memory_space<vmem_shared>> -> memref<1x10240xf32, #tpu.memory_space<vmem_shared>>
      %dma_start3A_38 = tpu.memref_squeeze %dma_start3A_37 : memref<1x10240xf32, #tpu.memory_space<vmem_shared>> -> memref<10240xf32, #tpu.memory_space<vmem_shared>>
      tpu.enqueue_dma source(%arg7 : memref<10240xf32, #tpu.memory_space<vmem>>) target(%dma_start3A_38 : memref<10240xf32, #tpu.memory_space<vmem_shared>>) target_semaphore(%run_scoped3A : memref<!tpu.dma_semaphore, #tpu.memory_space<semaphore_mem>>)
      %dma_wait3A = arith.constant 0 : i32
      %dma_wait3A_39 = tpu.memref_slice %arg8[%arg1, %dma_wait3A] : memref<16x10240xf32, #tpu.memory_space<vmem_shared>> -> memref<1x10240xf32, #tpu.memory_space<vmem_shared>>
      %dma_wait3A_40 = tpu.memref_squeeze %dma_wait3A_39 : memref<1x10240xf32, #tpu.memory_space<vmem_shared>> -> memref<10240xf32, #tpu.memory_space<vmem_shared>>
      %dma_wait3A_41 = arith.constant 0 : i32
      %dma_wait3A_42 = tpu.memref_slice %arg8[%arg1, %dma_wait3A_41] : memref<16x10240xf32, #tpu.memory_space<vmem_shared>> -> memref<1x10240xf32, #tpu.memory_space<vmem_shared>>
      %dma_wait3A_43 = tpu.memref_squeeze %dma_wait3A_42 : memref<1x10240xf32, #tpu.memory_space<vmem_shared>> -> memref<10240xf32, #tpu.memory_space<vmem_shared>>
      tpu.wait_dma2 semaphore(%run_scoped3A : memref<!tpu.dma_semaphore, #tpu.memory_space<semaphore_mem>>) src(%arg7 : memref<10240xf32, #tpu.memory_space<vmem>>) dst(%dma_wait3A_43 : memref<10240xf32, #tpu.memory_space<vmem_shared>>)
      tpu.yield
    }) : () -> ()
    %barrier3A = arith.constant 0 : index
    tpu.barrier barrier_id(%barrier3A)
    %mul3A_26 = arith.constant 640 : i32
    %mul3A_27 = arith.muli %arg1, %mul3A_26 : i32
    "tpu.region"() ({
      %run_scoped3A = tpu.sem_alloc : memref<!tpu.dma_semaphore, #tpu.memory_space<semaphore_mem>>
      %dma_start3A = arith.constant 0 : i32
      %dma_start3A_34 = tpu.memref_slice %arg8[%dma_start3A, %mul3A_27] : memref<16x10240xf32, #tpu.memory_space<vmem_shared>> -> memref<16x640xf32, #tpu.memory_space<vmem_shared>>
      %dma_start3A_35 = arith.constant 0 : i32
      %dma_start3A_36 = tpu.memref_slice %arg8[%dma_start3A_35, %mul3A_27] : memref<16x10240xf32, #tpu.memory_space<vmem_shared>> -> memref<16x640xf32, #tpu.memory_space<vmem_shared>>
      tpu.enqueue_dma source(%dma_start3A_36 : memref<16x640xf32, #tpu.memory_space<vmem_shared>>) target(%arg9 : memref<16x640xf32, #tpu.memory_space<vmem>>) target_semaphore(%run_scoped3A : memref<!tpu.dma_semaphore, #tpu.memory_space<semaphore_mem>>)
      %dma_wait3A = arith.constant 0 : i32
      %dma_wait3A_37 = tpu.memref_slice %arg8[%dma_wait3A, %mul3A_27] : memref<16x10240xf32, #tpu.memory_space<vmem_shared>> -> memref<16x640xf32, #tpu.memory_space<vmem_shared>>
      %dma_wait3A_38 = arith.constant 0 : i32
      %dma_wait3A_39 = tpu.memref_slice %arg8[%dma_wait3A_38, %mul3A_27] : memref<16x10240xf32, #tpu.memory_space<vmem_shared>> -> memref<16x640xf32, #tpu.memory_space<vmem_shared>>
      tpu.wait_dma2 semaphore(%run_scoped3A : memref<!tpu.dma_semaphore, #tpu.memory_space<semaphore_mem>>) src(%dma_wait3A_39 : memref<16x640xf32, #tpu.memory_space<vmem_shared>>) dst(%arg9 : memref<16x640xf32, #tpu.memory_space<vmem>>)
      tpu.yield
    }) : () -> ()
    %scan3A_28 = arith.constant 0 : i32
    %scan3A_29 = arith.constant 0 : i32
    %scan3A_30 = arith.constant 40 : i32
    %scan3A_31 = arith.addi %scan3A_29, %scan3A_30 : i32
    %scan3A_32 = arith.constant 1 : i32
    scf.for %scan3A_34 = %scan3A_29 to %scan3A_31 step %scan3A_32  : i32 {
      %mul3A_35 = arith.constant 16 : i32
      %mul3A_36 = arith.muli %scan3A_34, %mul3A_35 : i32
      %get3A = arith.constant 0 : i32
      %get3A_37 = arith.index_cast %get3A : i32 to index
      %get3A_38 = arith.index_cast %mul3A_36 : i32 to index
      %get3A_39 = tpu.vector_load %arg9[%get3A_37, %get3A_38] {strides = array<i32>} : memref<16x640xf32, #tpu.memory_space<vmem>>, vector<16xf32>,
      %get3A_40 = arith.constant 1 : i32
      %get3A_41 = arith.index_cast %get3A_40 : i32 to index
      %get3A_42 = arith.index_cast %mul3A_36 : i32 to index
      %get3A_43 = tpu.vector_load %arg9[%get3A_41, %get3A_42] {strides = array<i32>} : memref<16x640xf32, #tpu.memory_space<vmem>>, vector<16xf32>,
      %add3A_44 = arith.addf %get3A_39, %get3A_43 : vector<16xf32>
      %get3A_45 = arith.constant 2 : i32
      %get3A_46 = arith.index_cast %get3A_45 : i32 to index
      %get3A_47 = arith.index_cast %mul3A_36 : i32 to index
      %get3A_48 = tpu.vector_load %arg9[%get3A_46, %get3A_47] {strides = array<i32>} : memref<16x640xf32, #tpu.memory_space<vmem>>, vector<16xf32>,
      %add3A_49 = arith.addf %add3A_44, %get3A_48 : vector<16xf32>
      %get3A_50 = arith.constant 3 : i32
      %get3A_51 = arith.index_cast %get3A_50 : i32 to index
      %get3A_52 = arith.index_cast %mul3A_36 : i32 to index
      %get3A_53 = tpu.vector_load %arg9[%get3A_51, %get3A_52] {strides = array<i32>} : memref<16x640xf32, #tpu.memory_space<vmem>>, vector<16xf32>,
      %add3A_54 = arith.addf %add3A_49, %get3A_53 : vector<16xf32>
      %get3A_55 = arith.constant 4 : i32
      %get3A_56 = arith.index_cast %get3A_55 : i32 to index
      %get3A_57 = arith.index_cast %mul3A_36 : i32 to index
      %get3A_58 = tpu.vector_load %arg9[%get3A_56, %get3A_57] {strides = array<i32>} : memref<16x640xf32, #tpu.memory_space<vmem>>, vector<16xf32>,
      %add3A_59 = arith.addf %add3A_54, %get3A_58 : vector<16xf32>
      %get3A_60 = arith.constant 5 : i32
      %get3A_61 = arith.index_cast %get3A_60 : i32 to index
      %get3A_62 = arith.index_cast %mul3A_36 : i32 to index
      %get3A_63 = tpu.vector_load %arg9[%get3A_61, %get3A_62] {strides = array<i32>} : memref<16x640xf32, #tpu.memory_space<vmem>>, vector<16xf32>,
      %add3A_64 = arith.addf %add3A_59, %get3A_63 : vector<16xf32>
      %get3A_65 = arith.constant 6 : i32
      %get3A_66 = arith.index_cast %get3A_65 : i32 to index
      %get3A_67 = arith.index_cast %mul3A_36 : i32 to index
      %get3A_68 = tpu.vector_load %arg9[%get3A_66, %get3A_67] {strides = array<i32>} : memref<16x640xf32, #tpu.memory_space<vmem>>, vector<16xf32>,
      %add3A_69 = arith.addf %add3A_64, %get3A_68 : vector<16xf32>
      %get3A_70 = arith.constant 7 : i32
      %get3A_71 = arith.index_cast %get3A_70 : i32 to index
      %get3A_72 = arith.index_cast %mul3A_36 : i32 to index
      %get3A_73 = tpu.vector_load %arg9[%get3A_71, %get3A_72] {strides = array<i32>} : memref<16x640xf32, #tpu.memory_space<vmem>>, vector<16xf32>,
      %add3A_74 = arith.addf %add3A_69, %get3A_73 : vector<16xf32>
      %get3A_75 = arith.constant 8 : i32
      %get3A_76 = arith.index_cast %get3A_75 : i32 to index
      %get3A_77 = arith.index_cast %mul3A_36 : i32 to index
      %get3A_78 = tpu.vector_load %arg9[%get3A_76, %get3A_77] {strides = array<i32>} : memref<16x640xf32, #tpu.memory_space<vmem>>, vector<16xf32>,
      %add3A_79 = arith.addf %add3A_74, %get3A_78 : vector<16xf32>
      %get3A_80 = arith.constant 9 : i32
      %get3A_81 = arith.index_cast %get3A_80 : i32 to index
      %get3A_82 = arith.index_cast %mul3A_36 : i32 to index
      %get3A_83 = tpu.vector_load %arg9[%get3A_81, %get3A_82] {strides = array<i32>} : memref<16x640xf32, #tpu.memory_space<vmem>>, vector<16xf32>,
      %add3A_84 = arith.addf %add3A_79, %get3A_83 : vector<16xf32>
      %get3A_85 = arith.constant 10 : i32
      %get3A_86 = arith.index_cast %get3A_85 : i32 to index
      %get3A_87 = arith.index_cast %mul3A_36 : i32 to index
      %get3A_88 = tpu.vector_load %arg9[%get3A_86, %get3A_87] {strides = array<i32>} : memref<16x640xf32, #tpu.memory_space<vmem>>, vector<16xf32>,
      %add3A_89 = arith.addf %add3A_84, %get3A_88 : vector<16xf32>
      %get3A_90 = arith.constant 11 : i32
      %get3A_91 = arith.index_cast %get3A_90 : i32 to index
      %get3A_92 = arith.index_cast %mul3A_36 : i32 to index
      %get3A_93 = tpu.vector_load %arg9[%get3A_91, %get3A_92] {strides = array<i32>} : memref<16x640xf32, #tpu.memory_space<vmem>>, vector<16xf32>,
      %add3A_94 = arith.addf %add3A_89, %get3A_93 : vector<16xf32>
      %get3A_95 = arith.constant 12 : i32
      %get3A_96 = arith.index_cast %get3A_95 : i32 to index
      %get3A_97 = arith.index_cast %mul3A_36 : i32 to index
      %get3A_98 = tpu.vector_load %arg9[%get3A_96, %get3A_97] {strides = array<i32>} : memref<16x640xf32, #tpu.memory_space<vmem>>, vector<16xf32>,
      %add3A_99 = arith.addf %add3A_94, %get3A_98 : vector<16xf32>
      %get3A_100 = arith.constant 13 : i32
      %get3A_101 = arith.index_cast %get3A_100 : i32 to index
      %get3A_102 = arith.index_cast %mul3A_36 : i32 to index
      %get3A_103 = tpu.vector_load %arg9[%get3A_101, %get3A_102] {strides = array<i32>} : memref<16x640xf32, #tpu.memory_space<vmem>>, vector<16xf32>,
      %add3A_104 = arith.addf %add3A_99, %get3A_103 : vector<16xf32>
      %get3A_105 = arith.constant 14 : i32
      %get3A_106 = arith.index_cast %get3A_105 : i32 to index
      %get3A_107 = arith.index_cast %mul3A_36 : i32 to index
      %get3A_108 = tpu.vector_load %arg9[%get3A_106, %get3A_107] {strides = array<i32>} : memref<16x640xf32, #tpu.memory_space<vmem>>, vector<16xf32>,
      %add3A_109 = arith.addf %add3A_104, %get3A_108 : vector<16xf32>
      %get3A_110 = arith.constant 15 : i32
      %get3A_111 = arith.index_cast %get3A_110 : i32 to index
      %get3A_112 = arith.index_cast %mul3A_36 : i32 to index
      %get3A_113 = tpu.vector_load %arg9[%get3A_111, %get3A_112] {strides = array<i32>} : memref<16x640xf32, #tpu.memory_space<vmem>>, vector<16xf32>,
      %add3A_114 = arith.addf %add3A_109, %get3A_113 : vector<16xf32>
      %add3A_115 = arith.addi %mul3A_27, %mul3A_36 : i32
      %swap3A = arith.index_cast %add3A_115 : i32 to index
      %swap3A_116 = tpu.vector_load %arg7[%swap3A] {strides = array<i32>} : memref<10240xf32, #tpu.memory_space<vmem>>, vector<16xf32>,
      tpu.vector_store %arg7[%swap3A], %add3A_114 {strides = array<i32>} : memref<10240xf32, #tpu.memory_space<vmem>>, vector<16xf32>,
    }
    %scan3A_33 = arith.constant 40 : i32
    "tpu.region"() ({
      %run_scoped3A = tpu.sem_alloc : memref<!tpu.dma_semaphore, #tpu.memory_space<semaphore_mem>>
      %dma_start3A = tpu.memref_slice %arg7[%mul3A_27] : memref<10240xf32, #tpu.memory_space<vmem>> -> memref<640xf32, #tpu.memory_space<vmem>>
      %dma_start3A_34 = tpu.memref_slice %arg4[%arg0, %mul3A_27] : memref<2x10240xf32, #tpu.memory_space<hbm>> -> memref<1x640xf32, #tpu.memory_space<hbm>>
      %dma_start3A_35 = tpu.memref_squeeze %dma_start3A_34 : memref<1x640xf32, #tpu.memory_space<hbm>> -> memref<640xf32, #tpu.memory_space<hbm>>
      %dma_start3A_36 = tpu.memref_slice %arg4[%arg0, %mul3A_27] : memref<2x10240xf32, #tpu.memory_space<hbm>> -> memref<1x640xf32, #tpu.memory_space<hbm>>
      %dma_start3A_37 = tpu.memref_squeeze %dma_start3A_36 : memref<1x640xf32, #tpu.memory_space<hbm>> -> memref<640xf32, #tpu.memory_space<hbm>>
      %dma_start3A_38 = tpu.memref_slice %arg7[%mul3A_27] : memref<10240xf32, #tpu.memory_space<vmem>> -> memref<640xf32, #tpu.memory_space<vmem>>
      tpu.enqueue_dma source(%dma_start3A_38 : memref<640xf32, #tpu.memory_space<vmem>>) target(%dma_start3A_37 : memref<640xf32, #tpu.memory_space<hbm>>) target_semaphore(%run_scoped3A : memref<!tpu.dma_semaphore, #tpu.memory_space<semaphore_mem>>)
      %dma_wait3A = tpu.memref_slice %arg7[%mul3A_27] : memref<10240xf32, #tpu.memory_space<vmem>> -> memref<640xf32, #tpu.memory_space<vmem>>
      %dma_wait3A_39 = tpu.memref_slice %arg4[%arg0, %mul3A_27] : memref<2x10240xf32, #tpu.memory_space<hbm>> -> memref<1x640xf32, #tpu.memory_space<hbm>>
      %dma_wait3A_40 = tpu.memref_squeeze %dma_wait3A_39 : memref<1x640xf32, #tpu.memory_space<hbm>> -> memref<640xf32, #tpu.memory_space<hbm>>
      %dma_wait3A_41 = tpu.memref_slice %arg4[%arg0, %mul3A_27] : memref<2x10240xf32, #tpu.memory_space<hbm>> -> memref<1x640xf32, #tpu.memory_space<hbm>>
      %dma_wait3A_42 = tpu.memref_squeeze %dma_wait3A_41 : memref<1x640xf32, #tpu.memory_space<hbm>> -> memref<640xf32, #tpu.memory_space<hbm>>
      %dma_wait3A_43 = tpu.memref_slice %arg7[%mul3A_27] : memref<10240xf32, #tpu.memory_space<vmem>> -> memref<640xf32, #tpu.memory_space<vmem>>
      tpu.wait_dma2 semaphore(%run_scoped3A : memref<!tpu.dma_semaphore, #tpu.memory_space<semaphore_mem>>) src(%dma_wait3A_43 : memref<640xf32, #tpu.memory_space<vmem>>) dst(%dma_wait3A_42 : memref<640xf32, #tpu.memory_space<hbm>>)
      tpu.yield
    }) : () -> ()
    return
  }
}

module attributes {stable_mosaic.version = 14 : i64} {
  func.func @_matvec_body(%arg0: memref<80x128x128xf32, #tpu.memory_space<vmem>>, %arg1: memref<128xf32, #tpu.memory_space<vmem>>, %arg2: memref<80x128xf32, #tpu.memory_space<vmem>>) attributes {dimension_semantics = [], scalar_prefetch = 0 : i64, scratch_operands = 0 : i64, tpu.core_type = #tpu.core_type<tc>} {
    %get3A = arith.constant 0 : index
    %get3A_0 = arith.constant 0 : index
    %get3A_1 = arith.constant 0 : index
    %get3A_2 = vector.load %arg0[%get3A, %get3A_0, %get3A_1] : memref<80x128x128xf32, #tpu.memory_space<vmem>>, vector<80x128x128xf32>
    %get3A_3 = arith.constant 0 : index
    %get3A_4 = vector.load %arg1[%get3A_3] : memref<128xf32, #tpu.memory_space<vmem>>, vector<128xf32>
    %dot_general3A = arith.constant dense<0.000000e+00> : vector<80x128xf32>
    %dot_general3A_5 = tpu.matmul %get3A_2, %get3A_4, %dot_general3A {dimension_numbers = #tpu.dot_dimension_numbers<[2], [0], [0, 1], [], [0, 0, 0, 1], [], []>, transpose_lhs_hint = false} : vector<80x128x128xf32>, vector<128xf32>, vector<80x128xf32> -> vector<80x128xf32>
    %swap3A = arith.constant 0 : index
    %swap3A_6 = arith.constant 0 : index
    %swap3A_7 = vector.load %arg2[%swap3A, %swap3A_6] : memref<80x128xf32, #tpu.memory_space<vmem>>, vector<80x128xf32>
    tpu.vector_store %arg2[%swap3A, %swap3A_6], %dot_general3A_5 {strides = array<i32>} : memref<80x128xf32, #tpu.memory_space<vmem>>, vector<80x128xf32>,
    return
  }
}

module attributes {stable_mosaic.version = 14 : i64} {
  func.func @_prep_body(%arg0: memref<2x80x128xf32, #tpu.memory_space<vmem>>, %arg1: memref<80x128xf32, #tpu.memory_space<vmem>>, %arg2: memref<80x128xf32, #tpu.memory_space<vmem>>, %arg3: memref<80x128xf32, #tpu.memory_space<vmem>>) attributes {dimension_semantics = [], scalar_prefetch = 0 : i64, scratch_operands = 0 : i64, tpu.core_type = #tpu.core_type<tc>} {
    %get3A = arith.constant 0 : index
    %get3A_0 = arith.constant 0 : index
    %get3A_1 = arith.constant 0 : index
    %get3A_2 = vector.load %arg0[%get3A, %get3A_0, %get3A_1] : memref<2x80x128xf32, #tpu.memory_space<vmem>>, vector<2x80x128xf32>
    %reduce_sum3A = arith.constant dense<0.000000e+00> : vector<80x128xf32>
    %reduce_sum3A_3 = vector.multi_reduction <add>, %get3A_2, %reduce_sum3A [0] : vector<2x80x128xf32> to vector<80x128xf32>
    %add3A = arith.constant 1.000000e+00 : f32
    %add3A_4 = vector.broadcast %add3A : f32 to vector<80x128xf32>
    %add3A_5 = arith.addf %reduce_sum3A_3, %add3A_4 : vector<80x128xf32>
    %rsqrt3A = math.rsqrt %add3A_5 : vector<80x128xf32>
    %swap3A = arith.constant 0 : index
    %swap3A_6 = arith.constant 0 : index
    %swap3A_7 = vector.load %arg2[%swap3A, %swap3A_6] : memref<80x128xf32, #tpu.memory_space<vmem>>, vector<80x128xf32>
    tpu.vector_store %arg2[%swap3A, %swap3A_6], %rsqrt3A {strides = array<i32>} : memref<80x128xf32, #tpu.memory_space<vmem>>, vector<80x128xf32>,
    %get3A_8 = arith.constant 0 : index
    %get3A_9 = arith.constant 0 : index
    %get3A_10 = vector.load %arg1[%get3A_8, %get3A_9] : memref<80x128xf32, #tpu.memory_space<vmem>>, vector<80x128xf32>
    %mul3A = arith.mulf %rsqrt3A, %get3A_10 : vector<80x128xf32>
    %swap3A_11 = arith.constant 0 : index
    %swap3A_12 = arith.constant 0 : index
    %swap3A_13 = vector.load %arg3[%swap3A_11, %swap3A_12] : memref<80x128xf32, #tpu.memory_space<vmem>>, vector<80x128xf32>
    tpu.vector_store %arg3[%swap3A_11, %swap3A_12], %mul3A {strides = array<i32>} : memref<80x128xf32, #tpu.memory_space<vmem>>, vector<80x128xf32>,
    return
  }
}

module attributes {stable_mosaic.version = 14 : i64} {
  func.func @_mlp_body(%arg0: i32, %arg1: memref<40x128xf32, #tpu.memory_space<vmem>>, %arg2: memref<40x128xf32, #tpu.memory_space<vmem>>, %arg3: memref<40x128xf32, #tpu.memory_space<vmem>>, %arg4: memref<40x128xf32, #tpu.memory_space<vmem>>, %arg5: memref<1x1xf32, #tpu.memory_space<vmem>>, %arg6: memref<200x1xf32, #tpu.memory_space<vmem>>, %arg7: memref<200x7xf32, #tpu.memory_space<vmem>>, %arg8: memref<200x200xbf16, #tpu.memory_space<vmem>>, %arg9: memref<200x200xbf16, #tpu.memory_space<vmem>>, %arg10: memref<200x200xbf16, #tpu.memory_space<vmem>>, %arg11: memref<200x200xbf16, #tpu.memory_space<vmem>>, %arg12: memref<200x200xbf16, #tpu.memory_space<vmem>>, %arg13: memref<200x200xbf16, #tpu.memory_space<vmem>>, %arg14: memref<200x1xbf16, #tpu.memory_space<vmem>>, %arg15: memref<1x1xf32, #tpu.memory_space<vmem>>, %arg16: memref<1x5120xf32, #tpu.memory_space<vmem>>) attributes {dimension_semantics = [#tpu.dimension_semantics<arbitrary>], iteration_bounds = array<i64: 2>, scalar_prefetch = 0 : i64, scratch_operands = 0 : i64, tpu.core_type = #tpu.core_type<tc>, window_params = [{transform_indices = @transform_0, window_bounds = array<i64: 40, 128>}, {transform_indices = @transform_1, window_bounds = array<i64: 40, 128>}, {transform_indices = @transform_2, window_bounds = array<i64: 40, 128>}, {transform_indices = @transform_3, window_bounds = array<i64: 40, 128>}, {pipeline_mode = #tpu.pipeline_mode<synchronous>, transform_indices = @transform_4, window_bounds = array<i64: 1, 1>}, {pipeline_mode = #tpu.pipeline_mode<synchronous>, transform_indices = @transform_5, window_bounds = array<i64: 200, 1>}, {pipeline_mode = #tpu.pipeline_mode<synchronous>, transform_indices = @transform_6, window_bounds = array<i64: 200, 7>}, {pipeline_mode = #tpu.pipeline_mode<synchronous>, transform_indices = @transform_7, window_bounds = array<i64: 200, 200>}, {pipeline_mode = #tpu.pipeline_mode<synchronous>, transform_indices = @transform_8, window_bounds = array<i64: 200, 200>}, {pipeline_mode = #tpu.pipeline_mode<synchronous>, transform_indices = @transform_9, window_bounds = array<i64: 200, 200>}, {pipeline_mode = #tpu.pipeline_mode<synchronous>, transform_indices = @transform_10, window_bounds = array<i64: 200, 200>}, {pipeline_mode = #tpu.pipeline_mode<synchronous>, transform_indices = @transform_11, window_bounds = array<i64: 200, 200>}, {pipeline_mode = #tpu.pipeline_mode<synchronous>, transform_indices = @transform_12, window_bounds = array<i64: 200, 200>}, {pipeline_mode = #tpu.pipeline_mode<synchronous>, transform_indices = @transform_13, window_bounds = array<i64: 200, 1>}, {pipeline_mode = #tpu.pipeline_mode<synchronous>, transform_indices = @transform_14, window_bounds = array<i64: 1, 1>}, {transform_indices = @transform_15, window_bounds = array<i64: 1, 5120>}]} {
    %get3A = arith.constant 0 : index
    %get3A_0 = arith.constant 0 : index
    %get3A_1 = vector.load %arg3[%get3A, %get3A_0] : memref<40x128xf32, #tpu.memory_space<vmem>>, vector<40x128xf32>
    %get3A_2 = arith.constant 0 : index
    %get3A_3 = arith.constant 0 : index
    %get3A_4 = vector.load %arg1[%get3A_2, %get3A_3] : memref<40x128xf32, #tpu.memory_space<vmem>>, vector<40x128xf32>
    %get3A_5 = arith.constant 0 : index
    %get3A_6 = arith.constant 0 : index
    %get3A_7 = vector.load %arg2[%get3A_5, %get3A_6] : memref<40x128xf32, #tpu.memory_space<vmem>>, vector<40x128xf32>
    %add3A = arith.addf %get3A_4, %get3A_7 : vector<40x128xf32>
    %get3A_8 = arith.constant 0 : index
    %get3A_9 = arith.constant 0 : index
    %get3A_10 = vector.load %arg4[%get3A_8, %get3A_9] : memref<40x128xf32, #tpu.memory_space<vmem>>, vector<40x128xf32>
    %add3A_11 = arith.addf %add3A, %get3A_10 : vector<40x128xf32>
    %mul3A = arith.mulf %get3A_1, %add3A_11 : vector<40x128xf32>
    %get3A_12 = arith.constant 0 : index
    %get3A_13 = arith.constant 0 : index
    %get3A_14 = vector.load %arg5[%get3A_12, %get3A_13] : memref<1x1xf32, #tpu.memory_space<vmem>>, vector<1x1xf32>
    %get3A_15 = vector.extract %get3A_14[0, 0] : f32 from vector<1x1xf32>
    %add3A_16 = vector.broadcast %get3A_15 : f32 to vector<40x128xf32>
    %add3A_17 = arith.addf %mul3A, %add3A_16 : vector<40x128xf32>
    %slice3A = vector.extract_strided_slice %add3A_17 {offsets = [0, 0], sizes = [1, 128], strides = [1, 1]} : vector<40x128xf32> to vector<1x128xf32>
    %get3A_18 = arith.constant 0 : index
    %get3A_19 = arith.constant 0 : index
    %get3A_20 = vector.load %arg6[%get3A_18, %get3A_19] : memref<200x1xf32, #tpu.memory_space<vmem>>, vector<200x1xf32>
    %mul3A_21 = vector.broadcast %slice3A : vector<1x128xf32> to vector<200x128xf32>
    %mul3A_22 = vector.broadcast %get3A_20 : vector<200x1xf32> to vector<200x128xf32>
    %mul3A_23 = arith.mulf %mul3A_21, %mul3A_22 : vector<200x128xf32>
    %slice3A_24 = vector.extract_strided_slice %add3A_17 {offsets = [1, 0], sizes = [1, 128], strides = [1, 1]} : vector<40x128xf32> to vector<1x128xf32>
    %get3A_25 = arith.constant 0 : index
    %get3A_26 = arith.constant 0 : index
    %get3A_27 = vector.load %arg6[%get3A_25, %get3A_26] : memref<200x1xf32, #tpu.memory_space<vmem>>, vector<200x1xf32>
    %mul3A_28 = vector.broadcast %slice3A_24 : vector<1x128xf32> to vector<200x128xf32>
    %mul3A_29 = vector.broadcast %get3A_27 : vector<200x1xf32> to vector<200x128xf32>
    %mul3A_30 = arith.mulf %mul3A_28, %mul3A_29 : vector<200x128xf32>
    %slice3A_31 = vector.extract_strided_slice %add3A_17 {offsets = [2, 0], sizes = [1, 128], strides = [1, 1]} : vector<40x128xf32> to vector<1x128xf32>
    %get3A_32 = arith.constant 0 : index
    %get3A_33 = arith.constant 0 : index
    %get3A_34 = vector.load %arg6[%get3A_32, %get3A_33] : memref<200x1xf32, #tpu.memory_space<vmem>>, vector<200x1xf32>
    %mul3A_35 = vector.broadcast %slice3A_31 : vector<1x128xf32> to vector<200x128xf32>
    %mul3A_36 = vector.broadcast %get3A_34 : vector<200x1xf32> to vector<200x128xf32>
    %mul3A_37 = arith.mulf %mul3A_35, %mul3A_36 : vector<200x128xf32>
    %slice3A_38 = vector.extract_strided_slice %add3A_17 {offsets = [3, 0], sizes = [1, 128], strides = [1, 1]} : vector<40x128xf32> to vector<1x128xf32>
    %get3A_39 = arith.constant 0 : index
    %get3A_40 = arith.constant 0 : index
    %get3A_41 = vector.load %arg6[%get3A_39, %get3A_40] : memref<200x1xf32, #tpu.memory_space<vmem>>, vector<200x1xf32>
    %mul3A_42 = vector.broadcast %slice3A_38 : vector<1x128xf32> to vector<200x128xf32>
    %mul3A_43 = vector.broadcast %get3A_41 : vector<200x1xf32> to vector<200x128xf32>
    %mul3A_44 = arith.mulf %mul3A_42, %mul3A_43 : vector<200x128xf32>
    %slice3A_45 = vector.extract_strided_slice %add3A_17 {offsets = [4, 0], sizes = [1, 128], strides = [1, 1]} : vector<40x128xf32> to vector<1x128xf32>
    %get3A_46 = arith.constant 0 : index
    %get3A_47 = arith.constant 0 : index
    %get3A_48 = vector.load %arg6[%get3A_46, %get3A_47] : memref<200x1xf32, #tpu.memory_space<vmem>>, vector<200x1xf32>
    %mul3A_49 = vector.broadcast %slice3A_45 : vector<1x128xf32> to vector<200x128xf32>
    %mul3A_50 = vector.broadcast %get3A_48 : vector<200x1xf32> to vector<200x128xf32>
    %mul3A_51 = arith.mulf %mul3A_49, %mul3A_50 : vector<200x128xf32>
    %slice3A_52 = vector.extract_strided_slice %add3A_17 {offsets = [5, 0], sizes = [1, 128], strides = [1, 1]} : vector<40x128xf32> to vector<1x128xf32>
    %get3A_53 = arith.constant 0 : index
    %get3A_54 = arith.constant 0 : index
    %get3A_55 = vector.load %arg6[%get3A_53, %get3A_54] : memref<200x1xf32, #tpu.memory_space<vmem>>, vector<200x1xf32>
    %mul3A_56 = vector.broadcast %slice3A_52 : vector<1x128xf32> to vector<200x128xf32>
    %mul3A_57 = vector.broadcast %get3A_55 : vector<200x1xf32> to vector<200x128xf32>
    %mul3A_58 = arith.mulf %mul3A_56, %mul3A_57 : vector<200x128xf32>
    %slice3A_59 = vector.extract_strided_slice %add3A_17 {offsets = [6, 0], sizes = [1, 128], strides = [1, 1]} : vector<40x128xf32> to vector<1x128xf32>
    %get3A_60 = arith.constant 0 : index
    %get3A_61 = arith.constant 0 : index
    %get3A_62 = vector.load %arg6[%get3A_60, %get3A_61] : memref<200x1xf32, #tpu.memory_space<vmem>>, vector<200x1xf32>
    %mul3A_63 = vector.broadcast %slice3A_59 : vector<1x128xf32> to vector<200x128xf32>
    %mul3A_64 = vector.broadcast %get3A_62 : vector<200x1xf32> to vector<200x128xf32>
    %mul3A_65 = arith.mulf %mul3A_63, %mul3A_64 : vector<200x128xf32>
    %slice3A_66 = vector.extract_strided_slice %add3A_17 {offsets = [7, 0], sizes = [1, 128], strides = [1, 1]} : vector<40x128xf32> to vector<1x128xf32>
    %get3A_67 = arith.constant 0 : index
    %get3A_68 = arith.constant 0 : index
    %get3A_69 = vector.load %arg6[%get3A_67, %get3A_68] : memref<200x1xf32, #tpu.memory_space<vmem>>, vector<200x1xf32>
    %mul3A_70 = vector.broadcast %slice3A_66 : vector<1x128xf32> to vector<200x128xf32>
    %mul3A_71 = vector.broadcast %get3A_69 : vector<200x1xf32> to vector<200x128xf32>
    %mul3A_72 = arith.mulf %mul3A_70, %mul3A_71 : vector<200x128xf32>
    %slice3A_73 = vector.extract_strided_slice %add3A_17 {offsets = [8, 0], sizes = [1, 128], strides = [1, 1]} : vector<40x128xf32> to vector<1x128xf32>
    %get3A_74 = arith.constant 0 : index
    %get3A_75 = arith.constant 0 : index
    %get3A_76 = vector.load %arg6[%get3A_74, %get3A_75] : memref<200x1xf32, #tpu.memory_space<vmem>>, vector<200x1xf32>
    %mul3A_77 = vector.broadcast %slice3A_73 : vector<1x128xf32> to vector<200x128xf32>
    %mul3A_78 = vector.broadcast %get3A_76 : vector<200x1xf32> to vector<200x128xf32>
    %mul3A_79 = arith.mulf %mul3A_77, %mul3A_78 : vector<200x128xf32>
    %slice3A_80 = vector.extract_strided_slice %add3A_17 {offsets = [9, 0], sizes = [1, 128], strides = [1, 1]} : vector<40x128xf32> to vector<1x128xf32>
    %get3A_81 = arith.constant 0 : index
    %get3A_82 = arith.constant 0 : index
    %get3A_83 = vector.load %arg6[%get3A_81, %get3A_82] : memref<200x1xf32, #tpu.memory_space<vmem>>, vector<200x1xf32>
    %mul3A_84 = vector.broadcast %slice3A_80 : vector<1x128xf32> to vector<200x128xf32>
    %mul3A_85 = vector.broadcast %get3A_83 : vector<200x1xf32> to vector<200x128xf32>
    %mul3A_86 = arith.mulf %mul3A_84, %mul3A_85 : vector<200x128xf32>
    %slice3A_87 = vector.extract_strided_slice %add3A_17 {offsets = [10, 0], sizes = [1, 128], strides = [1, 1]} : vector<40x128xf32> to vector<1x128xf32>
    %get3A_88 = arith.constant 0 : index
    %get3A_89 = arith.constant 0 : index
    %get3A_90 = vector.load %arg6[%get3A_88, %get3A_89] : memref<200x1xf32, #tpu.memory_space<vmem>>, vector<200x1xf32>
    %mul3A_91 = vector.broadcast %slice3A_87 : vector<1x128xf32> to vector<200x128xf32>
    %mul3A_92 = vector.broadcast %get3A_90 : vector<200x1xf32> to vector<200x128xf32>
    %mul3A_93 = arith.mulf %mul3A_91, %mul3A_92 : vector<200x128xf32>
    %slice3A_94 = vector.extract_strided_slice %add3A_17 {offsets = [11, 0], sizes = [1, 128], strides = [1, 1]} : vector<40x128xf32> to vector<1x128xf32>
    %get3A_95 = arith.constant 0 : index
    %get3A_96 = arith.constant 0 : index
    %get3A_97 = vector.load %arg6[%get3A_95, %get3A_96] : memref<200x1xf32, #tpu.memory_space<vmem>>, vector<200x1xf32>
    %mul3A_98 = vector.broadcast %slice3A_94 : vector<1x128xf32> to vector<200x128xf32>
    %mul3A_99 = vector.broadcast %get3A_97 : vector<200x1xf32> to vector<200x128xf32>
    %mul3A_100 = arith.mulf %mul3A_98, %mul3A_99 : vector<200x128xf32>
    %slice3A_101 = vector.extract_strided_slice %add3A_17 {offsets = [12, 0], sizes = [1, 128], strides = [1, 1]} : vector<40x128xf32> to vector<1x128xf32>
    %get3A_102 = arith.constant 0 : index
    %get3A_103 = arith.constant 0 : index
    %get3A_104 = vector.load %arg6[%get3A_102, %get3A_103] : memref<200x1xf32, #tpu.memory_space<vmem>>, vector<200x1xf32>
    %mul3A_105 = vector.broadcast %slice3A_101 : vector<1x128xf32> to vector<200x128xf32>
    %mul3A_106 = vector.broadcast %get3A_104 : vector<200x1xf32> to vector<200x128xf32>
    %mul3A_107 = arith.mulf %mul3A_105, %mul3A_106 : vector<200x128xf32>
    %slice3A_108 = vector.extract_strided_slice %add3A_17 {offsets = [13, 0], sizes = [1, 128], strides = [1, 1]} : vector<40x128xf32> to vector<1x128xf32>
    %get3A_109 = arith.constant 0 : index
    %get3A_110 = arith.constant 0 : index
    %get3A_111 = vector.load %arg6[%get3A_109, %get3A_110] : memref<200x1xf32, #tpu.memory_space<vmem>>, vector<200x1xf32>
    %mul3A_112 = vector.broadcast %slice3A_108 : vector<1x128xf32> to vector<200x128xf32>
    %mul3A_113 = vector.broadcast %get3A_111 : vector<200x1xf32> to vector<200x128xf32>
    %mul3A_114 = arith.mulf %mul3A_112, %mul3A_113 : vector<200x128xf32>
    %slice3A_115 = vector.extract_strided_slice %add3A_17 {offsets = [14, 0], sizes = [1, 128], strides = [1, 1]} : vector<40x128xf32> to vector<1x128xf32>
    %get3A_116 = arith.constant 0 : index
    %get3A_117 = arith.constant 0 : index
    %get3A_118 = vector.load %arg6[%get3A_116, %get3A_117] : memref<200x1xf32, #tpu.memory_space<vmem>>, vector<200x1xf32>
    %mul3A_119 = vector.broadcast %slice3A_115 : vector<1x128xf32> to vector<200x128xf32>
    %mul3A_120 = vector.broadcast %get3A_118 : vector<200x1xf32> to vector<200x128xf32>
    %mul3A_121 = arith.mulf %mul3A_119, %mul3A_120 : vector<200x128xf32>
    %slice3A_122 = vector.extract_strided_slice %add3A_17 {offsets = [15, 0], sizes = [1, 128], strides = [1, 1]} : vector<40x128xf32> to vector<1x128xf32>
    %get3A_123 = arith.constant 0 : index
    %get3A_124 = arith.constant 0 : index
    %get3A_125 = vector.load %arg6[%get3A_123, %get3A_124] : memref<200x1xf32, #tpu.memory_space<vmem>>, vector<200x1xf32>
    %mul3A_126 = vector.broadcast %slice3A_122 : vector<1x128xf32> to vector<200x128xf32>
    %mul3A_127 = vector.broadcast %get3A_125 : vector<200x1xf32> to vector<200x128xf32>
    %mul3A_128 = arith.mulf %mul3A_126, %mul3A_127 : vector<200x128xf32>
    %slice3A_129 = vector.extract_strided_slice %add3A_17 {offsets = [16, 0], sizes = [1, 128], strides = [1, 1]} : vector<40x128xf32> to vector<1x128xf32>
    %get3A_130 = arith.constant 0 : index
    %get3A_131 = arith.constant 0 : index
    %get3A_132 = vector.load %arg6[%get3A_130, %get3A_131] : memref<200x1xf32, #tpu.memory_space<vmem>>, vector<200x1xf32>
    %mul3A_133 = vector.broadcast %slice3A_129 : vector<1x128xf32> to vector<200x128xf32>
    %mul3A_134 = vector.broadcast %get3A_132 : vector<200x1xf32> to vector<200x128xf32>
    %mul3A_135 = arith.mulf %mul3A_133, %mul3A_134 : vector<200x128xf32>
    %slice3A_136 = vector.extract_strided_slice %add3A_17 {offsets = [17, 0], sizes = [1, 128], strides = [1, 1]} : vector<40x128xf32> to vector<1x128xf32>
    %get3A_137 = arith.constant 0 : index
    %get3A_138 = arith.constant 0 : index
    %get3A_139 = vector.load %arg6[%get3A_137, %get3A_138] : memref<200x1xf32, #tpu.memory_space<vmem>>, vector<200x1xf32>
    %mul3A_140 = vector.broadcast %slice3A_136 : vector<1x128xf32> to vector<200x128xf32>
    %mul3A_141 = vector.broadcast %get3A_139 : vector<200x1xf32> to vector<200x128xf32>
    %mul3A_142 = arith.mulf %mul3A_140, %mul3A_141 : vector<200x128xf32>
    %slice3A_143 = vector.extract_strided_slice %add3A_17 {offsets = [18, 0], sizes = [1, 128], strides = [1, 1]} : vector<40x128xf32> to vector<1x128xf32>
    %get3A_144 = arith.constant 0 : index
    %get3A_145 = arith.constant 0 : index
    %get3A_146 = vector.load %arg6[%get3A_144, %get3A_145] : memref<200x1xf32, #tpu.memory_space<vmem>>, vector<200x1xf32>
    %mul3A_147 = vector.broadcast %slice3A_143 : vector<1x128xf32> to vector<200x128xf32>
    %mul3A_148 = vector.broadcast %get3A_146 : vector<200x1xf32> to vector<200x128xf32>
    %mul3A_149 = arith.mulf %mul3A_147, %mul3A_148 : vector<200x128xf32>
    %slice3A_150 = vector.extract_strided_slice %add3A_17 {offsets = [19, 0], sizes = [1, 128], strides = [1, 1]} : vector<40x128xf32> to vector<1x128xf32>
    %get3A_151 = arith.constant 0 : index
    %get3A_152 = arith.constant 0 : index
    %get3A_153 = vector.load %arg6[%get3A_151, %get3A_152] : memref<200x1xf32, #tpu.memory_space<vmem>>, vector<200x1xf32>
    %mul3A_154 = vector.broadcast %slice3A_150 : vector<1x128xf32> to vector<200x128xf32>
    %mul3A_155 = vector.broadcast %get3A_153 : vector<200x1xf32> to vector<200x128xf32>
    %mul3A_156 = arith.mulf %mul3A_154, %mul3A_155 : vector<200x128xf32>
    %slice3A_157 = vector.extract_strided_slice %add3A_17 {offsets = [20, 0], sizes = [1, 128], strides = [1, 1]} : vector<40x128xf32> to vector<1x128xf32>
    %get3A_158 = arith.constant 0 : index
    %get3A_159 = arith.constant 0 : index
    %get3A_160 = vector.load %arg6[%get3A_158, %get3A_159] : memref<200x1xf32, #tpu.memory_space<vmem>>, vector<200x1xf32>
    %mul3A_161 = vector.broadcast %slice3A_157 : vector<1x128xf32> to vector<200x128xf32>
    %mul3A_162 = vector.broadcast %get3A_160 : vector<200x1xf32> to vector<200x128xf32>
    %mul3A_163 = arith.mulf %mul3A_161, %mul3A_162 : vector<200x128xf32>
    %slice3A_164 = vector.extract_strided_slice %add3A_17 {offsets = [21, 0], sizes = [1, 128], strides = [1, 1]} : vector<40x128xf32> to vector<1x128xf32>
    %get3A_165 = arith.constant 0 : index
    %get3A_166 = arith.constant 0 : index
    %get3A_167 = vector.load %arg6[%get3A_165, %get3A_166] : memref<200x1xf32, #tpu.memory_space<vmem>>, vector<200x1xf32>
    %mul3A_168 = vector.broadcast %slice3A_164 : vector<1x128xf32> to vector<200x128xf32>
    %mul3A_169 = vector.broadcast %get3A_167 : vector<200x1xf32> to vector<200x128xf32>
    %mul3A_170 = arith.mulf %mul3A_168, %mul3A_169 : vector<200x128xf32>
    %slice3A_171 = vector.extract_strided_slice %add3A_17 {offsets = [22, 0], sizes = [1, 128], strides = [1, 1]} : vector<40x128xf32> to vector<1x128xf32>
    %get3A_172 = arith.constant 0 : index
    %get3A_173 = arith.constant 0 : index
    %get3A_174 = vector.load %arg6[%get3A_172, %get3A_173] : memref<200x1xf32, #tpu.memory_space<vmem>>, vector<200x1xf32>
    %mul3A_175 = vector.broadcast %slice3A_171 : vector<1x128xf32> to vector<200x128xf32>
    %mul3A_176 = vector.broadcast %get3A_174 : vector<200x1xf32> to vector<200x128xf32>
    %mul3A_177 = arith.mulf %mul3A_175, %mul3A_176 : vector<200x128xf32>
    %slice3A_178 = vector.extract_strided_slice %add3A_17 {offsets = [23, 0], sizes = [1, 128], strides = [1, 1]} : vector<40x128xf32> to vector<1x128xf32>
    %get3A_179 = arith.constant 0 : index
    %get3A_180 = arith.constant 0 : index
    %get3A_181 = vector.load %arg6[%get3A_179, %get3A_180] : memref<200x1xf32, #tpu.memory_space<vmem>>, vector<200x1xf32>
    %mul3A_182 = vector.broadcast %slice3A_178 : vector<1x128xf32> to vector<200x128xf32>
    %mul3A_183 = vector.broadcast %get3A_181 : vector<200x1xf32> to vector<200x128xf32>
    %mul3A_184 = arith.mulf %mul3A_182, %mul3A_183 : vector<200x128xf32>
    %slice3A_185 = vector.extract_strided_slice %add3A_17 {offsets = [24, 0], sizes = [1, 128], strides = [1, 1]} : vector<40x128xf32> to vector<1x128xf32>
    %get3A_186 = arith.constant 0 : index
    %get3A_187 = arith.constant 0 : index
    %get3A_188 = vector.load %arg6[%get3A_186, %get3A_187] : memref<200x1xf32, #tpu.memory_space<vmem>>, vector<200x1xf32>
    %mul3A_189 = vector.broadcast %slice3A_185 : vector<1x128xf32> to vector<200x128xf32>
    %mul3A_190 = vector.broadcast %get3A_188 : vector<200x1xf32> to vector<200x128xf32>
    %mul3A_191 = arith.mulf %mul3A_189, %mul3A_190 : vector<200x128xf32>
    %slice3A_192 = vector.extract_strided_slice %add3A_17 {offsets = [25, 0], sizes = [1, 128], strides = [1, 1]} : vector<40x128xf32> to vector<1x128xf32>
    %get3A_193 = arith.constant 0 : index
    %get3A_194 = arith.constant 0 : index
    %get3A_195 = vector.load %arg6[%get3A_193, %get3A_194] : memref<200x1xf32, #tpu.memory_space<vmem>>, vector<200x1xf32>
    %mul3A_196 = vector.broadcast %slice3A_192 : vector<1x128xf32> to vector<200x128xf32>
    %mul3A_197 = vector.broadcast %get3A_195 : vector<200x1xf32> to vector<200x128xf32>
    %mul3A_198 = arith.mulf %mul3A_196, %mul3A_197 : vector<200x128xf32>
    %slice3A_199 = vector.extract_strided_slice %add3A_17 {offsets = [26, 0], sizes = [1, 128], strides = [1, 1]} : vector<40x128xf32> to vector<1x128xf32>
    %get3A_200 = arith.constant 0 : index
    %get3A_201 = arith.constant 0 : index
    %get3A_202 = vector.load %arg6[%get3A_200, %get3A_201] : memref<200x1xf32, #tpu.memory_space<vmem>>, vector<200x1xf32>
    %mul3A_203 = vector.broadcast %slice3A_199 : vector<1x128xf32> to vector<200x128xf32>
    %mul3A_204 = vector.broadcast %get3A_202 : vector<200x1xf32> to vector<200x128xf32>
    %mul3A_205 = arith.mulf %mul3A_203, %mul3A_204 : vector<200x128xf32>
    %slice3A_206 = vector.extract_strided_slice %add3A_17 {offsets = [27, 0], sizes = [1, 128], strides = [1, 1]} : vector<40x128xf32> to vector<1x128xf32>
    %get3A_207 = arith.constant 0 : index
    %get3A_208 = arith.constant 0 : index
    %get3A_209 = vector.load %arg6[%get3A_207, %get3A_208] : memref<200x1xf32, #tpu.memory_space<vmem>>, vector<200x1xf32>
    %mul3A_210 = vector.broadcast %slice3A_206 : vector<1x128xf32> to vector<200x128xf32>
    %mul3A_211 = vector.broadcast %get3A_209 : vector<200x1xf32> to vector<200x128xf32>
    %mul3A_212 = arith.mulf %mul3A_210, %mul3A_211 : vector<200x128xf32>
    %slice3A_213 = vector.extract_strided_slice %add3A_17 {offsets = [28, 0], sizes = [1, 128], strides = [1, 1]} : vector<40x128xf32> to vector<1x128xf32>
    %get3A_214 = arith.constant 0 : index
    %get3A_215 = arith.constant 0 : index
    %get3A_216 = vector.load %arg6[%get3A_214, %get3A_215] : memref<200x1xf32, #tpu.memory_space<vmem>>, vector<200x1xf32>
    %mul3A_217 = vector.broadcast %slice3A_213 : vector<1x128xf32> to vector<200x128xf32>
    %mul3A_218 = vector.broadcast %get3A_216 : vector<200x1xf32> to vector<200x128xf32>
    %mul3A_219 = arith.mulf %mul3A_217, %mul3A_218 : vector<200x128xf32>
    %slice3A_220 = vector.extract_strided_slice %add3A_17 {offsets = [29, 0], sizes = [1, 128], strides = [1, 1]} : vector<40x128xf32> to vector<1x128xf32>
    %get3A_221 = arith.constant 0 : index
    %get3A_222 = arith.constant 0 : index
    %get3A_223 = vector.load %arg6[%get3A_221, %get3A_222] : memref<200x1xf32, #tpu.memory_space<vmem>>, vector<200x1xf32>
    %mul3A_224 = vector.broadcast %slice3A_220 : vector<1x128xf32> to vector<200x128xf32>
    %mul3A_225 = vector.broadcast %get3A_223 : vector<200x1xf32> to vector<200x128xf32>
    %mul3A_226 = arith.mulf %mul3A_224, %mul3A_225 : vector<200x128xf32>
    %slice3A_227 = vector.extract_strided_slice %add3A_17 {offsets = [30, 0], sizes = [1, 128], strides = [1, 1]} : vector<40x128xf32> to vector<1x128xf32>
    %get3A_228 = arith.constant 0 : index
    %get3A_229 = arith.constant 0 : index
    %get3A_230 = vector.load %arg6[%get3A_228, %get3A_229] : memref<200x1xf32, #tpu.memory_space<vmem>>, vector<200x1xf32>
    %mul3A_231 = vector.broadcast %slice3A_227 : vector<1x128xf32> to vector<200x128xf32>
    %mul3A_232 = vector.broadcast %get3A_230 : vector<200x1xf32> to vector<200x128xf32>
    %mul3A_233 = arith.mulf %mul3A_231, %mul3A_232 : vector<200x128xf32>
    %slice3A_234 = vector.extract_strided_slice %add3A_17 {offsets = [31, 0], sizes = [1, 128], strides = [1, 1]} : vector<40x128xf32> to vector<1x128xf32>
    %get3A_235 = arith.constant 0 : index
    %get3A_236 = arith.constant 0 : index
    %get3A_237 = vector.load %arg6[%get3A_235, %get3A_236] : memref<200x1xf32, #tpu.memory_space<vmem>>, vector<200x1xf32>
    %mul3A_238 = vector.broadcast %slice3A_234 : vector<1x128xf32> to vector<200x128xf32>
    %mul3A_239 = vector.broadcast %get3A_237 : vector<200x1xf32> to vector<200x128xf32>
    %mul3A_240 = arith.mulf %mul3A_238, %mul3A_239 : vector<200x128xf32>
    %slice3A_241 = vector.extract_strided_slice %add3A_17 {offsets = [32, 0], sizes = [1, 128], strides = [1, 1]} : vector<40x128xf32> to vector<1x128xf32>
    %get3A_242 = arith.constant 0 : index
    %get3A_243 = arith.constant 0 : index
    %get3A_244 = vector.load %arg6[%get3A_242, %get3A_243] : memref<200x1xf32, #tpu.memory_space<vmem>>, vector<200x1xf32>
    %mul3A_245 = vector.broadcast %slice3A_241 : vector<1x128xf32> to vector<200x128xf32>
    %mul3A_246 = vector.broadcast %get3A_244 : vector<200x1xf32> to vector<200x128xf32>
    %mul3A_247 = arith.mulf %mul3A_245, %mul3A_246 : vector<200x128xf32>
    %slice3A_248 = vector.extract_strided_slice %add3A_17 {offsets = [33, 0], sizes = [1, 128], strides = [1, 1]} : vector<40x128xf32> to vector<1x128xf32>
    %get3A_249 = arith.constant 0 : index
    %get3A_250 = arith.constant 0 : index
    %get3A_251 = vector.load %arg6[%get3A_249, %get3A_250] : memref<200x1xf32, #tpu.memory_space<vmem>>, vector<200x1xf32>
    %mul3A_252 = vector.broadcast %slice3A_248 : vector<1x128xf32> to vector<200x128xf32>
    %mul3A_253 = vector.broadcast %get3A_251 : vector<200x1xf32> to vector<200x128xf32>
    %mul3A_254 = arith.mulf %mul3A_252, %mul3A_253 : vector<200x128xf32>
    %slice3A_255 = vector.extract_strided_slice %add3A_17 {offsets = [34, 0], sizes = [1, 128], strides = [1, 1]} : vector<40x128xf32> to vector<1x128xf32>
    %get3A_256 = arith.constant 0 : index
    %get3A_257 = arith.constant 0 : index
    %get3A_258 = vector.load %arg6[%get3A_256, %get3A_257] : memref<200x1xf32, #tpu.memory_space<vmem>>, vector<200x1xf32>
    %mul3A_259 = vector.broadcast %slice3A_255 : vector<1x128xf32> to vector<200x128xf32>
    %mul3A_260 = vector.broadcast %get3A_258 : vector<200x1xf32> to vector<200x128xf32>
    %mul3A_261 = arith.mulf %mul3A_259, %mul3A_260 : vector<200x128xf32>
    %slice3A_262 = vector.extract_strided_slice %add3A_17 {offsets = [35, 0], sizes = [1, 128], strides = [1, 1]} : vector<40x128xf32> to vector<1x128xf32>
    %get3A_263 = arith.constant 0 : index
    %get3A_264 = arith.constant 0 : index
    %get3A_265 = vector.load %arg6[%get3A_263, %get3A_264] : memref<200x1xf32, #tpu.memory_space<vmem>>, vector<200x1xf32>
    %mul3A_266 = vector.broadcast %slice3A_262 : vector<1x128xf32> to vector<200x128xf32>
    %mul3A_267 = vector.broadcast %get3A_265 : vector<200x1xf32> to vector<200x128xf32>
    %mul3A_268 = arith.mulf %mul3A_266, %mul3A_267 : vector<200x128xf32>
    %slice3A_269 = vector.extract_strided_slice %add3A_17 {offsets = [36, 0], sizes = [1, 128], strides = [1, 1]} : vector<40x128xf32> to vector<1x128xf32>
    %get3A_270 = arith.constant 0 : index
    %get3A_271 = arith.constant 0 : index
    %get3A_272 = vector.load %arg6[%get3A_270, %get3A_271] : memref<200x1xf32, #tpu.memory_space<vmem>>, vector<200x1xf32>
    %mul3A_273 = vector.broadcast %slice3A_269 : vector<1x128xf32> to vector<200x128xf32>
    %mul3A_274 = vector.broadcast %get3A_272 : vector<200x1xf32> to vector<200x128xf32>
    %mul3A_275 = arith.mulf %mul3A_273, %mul3A_274 : vector<200x128xf32>
    %slice3A_276 = vector.extract_strided_slice %add3A_17 {offsets = [37, 0], sizes = [1, 128], strides = [1, 1]} : vector<40x128xf32> to vector<1x128xf32>
    %get3A_277 = arith.constant 0 : index
    %get3A_278 = arith.constant 0 : index
    %get3A_279 = vector.load %arg6[%get3A_277, %get3A_278] : memref<200x1xf32, #tpu.memory_space<vmem>>, vector<200x1xf32>
    %mul3A_280 = vector.broadcast %slice3A_276 : vector<1x128xf32> to vector<200x128xf32>
    %mul3A_281 = vector.broadcast %get3A_279 : vector<200x1xf32> to vector<200x128xf32>
    %mul3A_282 = arith.mulf %mul3A_280, %mul3A_281 : vector<200x128xf32>
    %slice3A_283 = vector.extract_strided_slice %add3A_17 {offsets = [38, 0], sizes = [1, 128], strides = [1, 1]} : vector<40x128xf32> to vector<1x128xf32>
    %get3A_284 = arith.constant 0 : index
    %get3A_285 = arith.constant 0 : index
    %get3A_286 = vector.load %arg6[%get3A_284, %get3A_285] : memref<200x1xf32, #tpu.memory_space<vmem>>, vector<200x1xf32>
    %mul3A_287 = vector.broadcast %slice3A_283 : vector<1x128xf32> to vector<200x128xf32>
    %mul3A_288 = vector.broadcast %get3A_286 : vector<200x1xf32> to vector<200x128xf32>
    %mul3A_289 = arith.mulf %mul3A_287, %mul3A_288 : vector<200x128xf32>
    %slice3A_290 = vector.extract_strided_slice %add3A_17 {offsets = [39, 0], sizes = [1, 128], strides = [1, 1]} : vector<40x128xf32> to vector<1x128xf32>
    %get3A_291 = arith.constant 0 : index
    %get3A_292 = arith.constant 0 : index
    %get3A_293 = vector.load %arg6[%get3A_291, %get3A_292] : memref<200x1xf32, #tpu.memory_space<vmem>>, vector<200x1xf32>
    %mul3A_294 = vector.broadcast %slice3A_290 : vector<1x128xf32> to vector<200x128xf32>
    %mul3A_295 = vector.broadcast %get3A_293 : vector<200x1xf32> to vector<200x128xf32>
    %mul3A_296 = arith.mulf %mul3A_294, %mul3A_295 : vector<200x128xf32>
    %concatenate3A = tpu.concatenate %mul3A_23, %mul3A_30, %mul3A_37, %mul3A_44, %mul3A_51, %mul3A_58, %mul3A_65, %mul3A_72, %mul3A_79, %mul3A_86, %mul3A_93, %mul3A_100, %mul3A_107, %mul3A_114, %mul3A_121, %mul3A_128, %mul3A_135, %mul3A_142, %mul3A_149, %mul3A_156, %mul3A_163, %mul3A_170, %mul3A_177, %mul3A_184, %mul3A_191, %mul3A_198, %mul3A_205, %mul3A_212, %mul3A_219, %mul3A_226, %mul3A_233, %mul3A_240, %mul3A_247, %mul3A_254, %mul3A_261, %mul3A_268, %mul3A_275, %mul3A_282, %mul3A_289, %mul3A_296 in 1 : vector<200x128xf32>, vector<200x128xf32>, vector<200x128xf32>, vector<200x128xf32>, vector<200x128xf32>, vector<200x128xf32>, vector<200x128xf32>, vector<200x128xf32>, vector<200x128xf32>, vector<200x128xf32>, vector<200x128xf32>, vector<200x128xf32>, vector<200x128xf32>, vector<200x128xf32>, vector<200x128xf32>, vector<200x128xf32>, vector<200x128xf32>, vector<200x128xf32>, vector<200x128xf32>, vector<200x128xf32>, vector<200x128xf32>, vector<200x128xf32>, vector<200x128xf32>, vector<200x128xf32>, vector<200x128xf32>, vector<200x128xf32>, vector<200x128xf32>, vector<200x128xf32>, vector<200x128xf32>, vector<200x128xf32>, vector<200x128xf32>, vector<200x128xf32>, vector<200x128xf32>, vector<200x128xf32>, vector<200x128xf32>, vector<200x128xf32>, vector<200x128xf32>, vector<200x128xf32>, vector<200x128xf32>, vector<200x128xf32> -> vector<200x5120xf32>
    %get3A_297 = arith.constant 0 : index
    %get3A_298 = arith.constant 0 : index
    %get3A_299 = vector.load %arg7[%get3A_297, %get3A_298] : memref<200x7xf32, #tpu.memory_space<vmem>>, vector<200x1xf32>
    %add3A_300 = vector.broadcast %get3A_299 : vector<200x1xf32> to vector<200x5120xf32>
    %add3A_301 = arith.addf %concatenate3A, %add3A_300 : vector<200x5120xf32>
    %max3A = arith.constant 0.000000e+00 : f32
    %max3A_302 = vector.broadcast %max3A : f32 to vector<200x5120xf32>
    %max3A_303 = arith.maximumf %add3A_301, %max3A_302 : vector<200x5120xf32>
    %get3A_304 = arith.constant 0 : index
    %get3A_305 = arith.constant 0 : index
    %get3A_306 = vector.load %arg8[%get3A_304, %get3A_305] : memref<200x200xbf16, #tpu.memory_space<vmem>>, vector<200x200xbf16>
    %convert_element_type3A = arith.truncf %max3A_303 : vector<200x5120xf32> to vector<200x5120xbf16>
    %dot_general3A = arith.constant dense<0.000000e+00> : vector<200x5120xf32>
    %dot_general3A_307 = tpu.matmul %get3A_306, %convert_element_type3A, %dot_general3A {dimension_numbers = #tpu.dot_dimension_numbers<[0], [0], [1], [1], [0, 1, 1, 1], [], []>, transpose_lhs_hint = false} : vector<200x200xbf16>, vector<200x5120xbf16>, vector<200x5120xf32> -> vector<200x5120xf32>
    %get3A_308 = arith.constant 0 : index
    %get3A_309 = arith.constant 1 : index
    %get3A_310 = vector.load %arg7[%get3A_308, %get3A_309] : memref<200x7xf32, #tpu.memory_space<vmem>>, vector<200x1xf32>
    %add3A_311 = vector.broadcast %get3A_310 : vector<200x1xf32> to vector<200x5120xf32>
    %add3A_312 = arith.addf %dot_general3A_307, %add3A_311 : vector<200x5120xf32>
    %max3A_313 = arith.constant 0.000000e+00 : f32
    %max3A_314 = vector.broadcast %max3A_313 : f32 to vector<200x5120xf32>
    %max3A_315 = arith.maximumf %add3A_312, %max3A_314 : vector<200x5120xf32>
    %get3A_316 = arith.constant 0 : index
    %get3A_317 = arith.constant 0 : index
    %get3A_318 = vector.load %arg9[%get3A_316, %get3A_317] : memref<200x200xbf16, #tpu.memory_space<vmem>>, vector<200x200xbf16>
    %convert_element_type3A_319 = arith.truncf %max3A_315 : vector<200x5120xf32> to vector<200x5120xbf16>
    %dot_general3A_320 = arith.constant dense<0.000000e+00> : vector<200x5120xf32>
    %dot_general3A_321 = tpu.matmul %get3A_318, %convert_element_type3A_319, %dot_general3A_320 {dimension_numbers = #tpu.dot_dimension_numbers<[0], [0], [1], [1], [0, 1, 1, 1], [], []>, transpose_lhs_hint = false} : vector<200x200xbf16>, vector<200x5120xbf16>, vector<200x5120xf32> -> vector<200x5120xf32>
    %get3A_322 = arith.constant 0 : index
    %get3A_323 = arith.constant 2 : index
    %get3A_324 = vector.load %arg7[%get3A_322, %get3A_323] : memref<200x7xf32, #tpu.memory_space<vmem>>, vector<200x1xf32>
    %add3A_325 = vector.broadcast %get3A_324 : vector<200x1xf32> to vector<200x5120xf32>
    %add3A_326 = arith.addf %dot_general3A_321, %add3A_325 : vector<200x5120xf32>
    %max3A_327 = arith.constant 0.000000e+00 : f32
    %max3A_328 = vector.broadcast %max3A_327 : f32 to vector<200x5120xf32>
    %max3A_329 = arith.maximumf %add3A_326, %max3A_328 : vector<200x5120xf32>
    %get3A_330 = arith.constant 0 : index
    %get3A_331 = arith.constant 0 : index
    %get3A_332 = vector.load %arg10[%get3A_330, %get3A_331] : memref<200x200xbf16, #tpu.memory_space<vmem>>, vector<200x200xbf16>
    %convert_element_type3A_333 = arith.truncf %max3A_329 : vector<200x5120xf32> to vector<200x5120xbf16>
    %dot_general3A_334 = arith.constant dense<0.000000e+00> : vector<200x5120xf32>
    %dot_general3A_335 = tpu.matmul %get3A_332, %convert_element_type3A_333, %dot_general3A_334 {dimension_numbers = #tpu.dot_dimension_numbers<[0], [0], [1], [1], [0, 1, 1, 1], [], []>, transpose_lhs_hint = false} : vector<200x200xbf16>, vector<200x5120xbf16>, vector<200x5120xf32> -> vector<200x5120xf32>
    %get3A_336 = arith.constant 0 : index
    %get3A_337 = arith.constant 3 : index
    %get3A_338 = vector.load %arg7[%get3A_336, %get3A_337] : memref<200x7xf32, #tpu.memory_space<vmem>>, vector<200x1xf32>
    %add3A_339 = vector.broadcast %get3A_338 : vector<200x1xf32> to vector<200x5120xf32>
    %add3A_340 = arith.addf %dot_general3A_335, %add3A_339 : vector<200x5120xf32>
    %max3A_341 = arith.constant 0.000000e+00 : f32
    %max3A_342 = vector.broadcast %max3A_341 : f32 to vector<200x5120xf32>
    %max3A_343 = arith.maximumf %add3A_340, %max3A_342 : vector<200x5120xf32>
    %get3A_344 = arith.constant 0 : index
    %get3A_345 = arith.constant 0 : index
    %get3A_346 = vector.load %arg11[%get3A_344, %get3A_345] : memref<200x200xbf16, #tpu.memory_space<vmem>>, vector<200x200xbf16>
    %convert_element_type3A_347 = arith.truncf %max3A_343 : vector<200x5120xf32> to vector<200x5120xbf16>
    %dot_general3A_348 = arith.constant dense<0.000000e+00> : vector<200x5120xf32>
    %dot_general3A_349 = tpu.matmul %get3A_346, %convert_element_type3A_347, %dot_general3A_348 {dimension_numbers = #tpu.dot_dimension_numbers<[0], [0], [1], [1], [0, 1, 1, 1], [], []>, transpose_lhs_hint = false} : vector<200x200xbf16>, vector<200x5120xbf16>, vector<200x5120xf32> -> vector<200x5120xf32>
    %get3A_350 = arith.constant 0 : index
    %get3A_351 = arith.constant 4 : index
    %get3A_352 = vector.load %arg7[%get3A_350, %get3A_351] : memref<200x7xf32, #tpu.memory_space<vmem>>, vector<200x1xf32>
    %add3A_353 = vector.broadcast %get3A_352 : vector<200x1xf32> to vector<200x5120xf32>
    %add3A_354 = arith.addf %dot_general3A_349, %add3A_353 : vector<200x5120xf32>
    %max3A_355 = arith.constant 0.000000e+00 : f32
    %max3A_356 = vector.broadcast %max3A_355 : f32 to vector<200x5120xf32>
    %max3A_357 = arith.maximumf %add3A_354, %max3A_356 : vector<200x5120xf32>
    %get3A_358 = arith.constant 0 : index
    %get3A_359 = arith.constant 0 : index
    %get3A_360 = vector.load %arg12[%get3A_358, %get3A_359] : memref<200x200xbf16, #tpu.memory_space<vmem>>, vector<200x200xbf16>
    %convert_element_type3A_361 = arith.truncf %max3A_357 : vector<200x5120xf32> to vector<200x5120xbf16>
    %dot_general3A_362 = arith.constant dense<0.000000e+00> : vector<200x5120xf32>
    %dot_general3A_363 = tpu.matmul %get3A_360, %convert_element_type3A_361, %dot_general3A_362 {dimension_numbers = #tpu.dot_dimension_numbers<[0], [0], [1], [1], [0, 1, 1, 1], [], []>, transpose_lhs_hint = false} : vector<200x200xbf16>, vector<200x5120xbf16>, vector<200x5120xf32> -> vector<200x5120xf32>
    %get3A_364 = arith.constant 0 : index
    %get3A_365 = arith.constant 5 : index
    %get3A_366 = vector.load %arg7[%get3A_364, %get3A_365] : memref<200x7xf32, #tpu.memory_space<vmem>>, vector<200x1xf32>
    %add3A_367 = vector.broadcast %get3A_366 : vector<200x1xf32> to vector<200x5120xf32>
    %add3A_368 = arith.addf %dot_general3A_363, %add3A_367 : vector<200x5120xf32>
    %max3A_369 = arith.constant 0.000000e+00 : f32
    %max3A_370 = vector.broadcast %max3A_369 : f32 to vector<200x5120xf32>
    %max3A_371 = arith.maximumf %add3A_368, %max3A_370 : vector<200x5120xf32>
    %get3A_372 = arith.constant 0 : index
    %get3A_373 = arith.constant 0 : index
    %get3A_374 = vector.load %arg13[%get3A_372, %get3A_373] : memref<200x200xbf16, #tpu.memory_space<vmem>>, vector<200x200xbf16>
    %convert_element_type3A_375 = arith.truncf %max3A_371 : vector<200x5120xf32> to vector<200x5120xbf16>
    %dot_general3A_376 = arith.constant dense<0.000000e+00> : vector<200x5120xf32>
    %dot_general3A_377 = tpu.matmul %get3A_374, %convert_element_type3A_375, %dot_general3A_376 {dimension_numbers = #tpu.dot_dimension_numbers<[0], [0], [1], [1], [0, 1, 1, 1], [], []>, transpose_lhs_hint = false} : vector<200x200xbf16>, vector<200x5120xbf16>, vector<200x5120xf32> -> vector<200x5120xf32>
    %get3A_378 = arith.constant 0 : index
    %get3A_379 = arith.constant 6 : index
    %get3A_380 = vector.load %arg7[%get3A_378, %get3A_379] : memref<200x7xf32, #tpu.memory_space<vmem>>, vector<200x1xf32>
    %add3A_381 = vector.broadcast %get3A_380 : vector<200x1xf32> to vector<200x5120xf32>
    %add3A_382 = arith.addf %dot_general3A_377, %add3A_381 : vector<200x5120xf32>
    %max3A_383 = arith.constant 0.000000e+00 : f32
    %max3A_384 = vector.broadcast %max3A_383 : f32 to vector<200x5120xf32>
    %max3A_385 = arith.maximumf %add3A_382, %max3A_384 : vector<200x5120xf32>
    %get3A_386 = arith.constant 0 : index
    %get3A_387 = arith.constant 0 : index
    %get3A_388 = vector.load %arg14[%get3A_386, %get3A_387] : memref<200x1xbf16, #tpu.memory_space<vmem>>, vector<200x1xbf16>
    %convert_element_type3A_389 = arith.truncf %max3A_385 : vector<200x5120xf32> to vector<200x5120xbf16>
    %dot_general3A_390 = arith.constant dense<0.000000e+00> : vector<1x5120xf32>
    %dot_general3A_391 = tpu.matmul %get3A_388, %convert_element_type3A_389, %dot_general3A_390 {dimension_numbers = #tpu.dot_dimension_numbers<[0], [0], [1], [1], [0, 1, 1, 1], [], []>, transpose_lhs_hint = false} : vector<200x1xbf16>, vector<200x5120xbf16>, vector<1x5120xf32> -> vector<1x5120xf32>
    %get3A_392 = arith.constant 0 : index
    %get3A_393 = arith.constant 0 : index
    %get3A_394 = vector.load %arg15[%get3A_392, %get3A_393] : memref<1x1xf32, #tpu.memory_space<vmem>>, vector<1x1xf32>
    %get3A_395 = vector.extract %get3A_394[0, 0] : f32 from vector<1x1xf32>
    %add3A_396 = vector.broadcast %get3A_395 : f32 to vector<1x5120xf32>
    %add3A_397 = arith.addf %dot_general3A_391, %add3A_396 : vector<1x5120xf32>
    %logistic3A = arith.negf %add3A_397 : vector<1x5120xf32>
    %logistic3A_398 = math.exp %logistic3A : vector<1x5120xf32>
    %logistic3A_399 = arith.constant 1.000000e+00 : f32
    %logistic3A_400 = vector.broadcast %logistic3A_399 : f32 to vector<1x5120xf32>
    %logistic3A_401 = arith.addf %logistic3A_400, %logistic3A_398 : vector<1x5120xf32>
    %logistic3A_402 = arith.divf %logistic3A_400, %logistic3A_401 : vector<1x5120xf32>
    %swap3A = arith.constant 0 : index
    %swap3A_403 = arith.constant 0 : index
    %swap3A_404 = vector.load %arg16[%swap3A, %swap3A_403] : memref<1x5120xf32, #tpu.memory_space<vmem>>, vector<1x5120xf32>
    tpu.vector_store %arg16[%swap3A, %swap3A_403], %logistic3A_402 {strides = array<i32>} : memref<1x5120xf32, #tpu.memory_space<vmem>>, vector<1x5120xf32>,
    return
  }
  func.func @transform_0(%arg0: i32) -> (i32, i32) {
    %c0_i32 = arith.constant 0 : i32
    %c0_i32_0 = arith.constant 0 : i32
    return %arg0, %c0_i32 : i32, i32
  }
  func.func @transform_1(%arg0: i32) -> (i32, i32) {
    %add3A = arith.constant 2 : i32
    %add3A_0 = arith.addi %arg0, %add3A : i32
    %c0_i32 = arith.constant 0 : i32
    %c0_i32_1 = arith.constant 0 : i32
    return %add3A_0, %c0_i32 : i32, i32
  }
  func.func @transform_2(%arg0: i32) -> (i32, i32) {
    %c0_i32 = arith.constant 0 : i32
    %c0_i32_0 = arith.constant 0 : i32
    return %arg0, %c0_i32 : i32, i32
  }
  func.func @transform_3(%arg0: i32) -> (i32, i32) {
    %c0_i32 = arith.constant 0 : i32
    %c0_i32_0 = arith.constant 0 : i32
    return %arg0, %c0_i32 : i32, i32
  }
  func.func @transform_4(%arg0: i32) -> (i32, i32) {
    %c0_i32 = arith.constant 0 : i32
    %c0_i32_0 = arith.constant 0 : i32
    %c0_i32_1 = arith.constant 0 : i32
    return %c0_i32, %c0_i32_0 : i32, i32
  }
  func.func @transform_5(%arg0: i32) -> (i32, i32) {
    %c0_i32 = arith.constant 0 : i32
    %c0_i32_0 = arith.constant 0 : i32
    %c0_i32_1 = arith.constant 0 : i32
    return %c0_i32, %c0_i32_0 : i32, i32
  }
  func.func @transform_6(%arg0: i32) -> (i32, i32) {
    %c0_i32 = arith.constant 0 : i32
    %c0_i32_0 = arith.constant 0 : i32
    %c0_i32_1 = arith.constant 0 : i32
    return %c0_i32, %c0_i32_0 : i32, i32
  }
  func.func @transform_7(%arg0: i32) -> (i32, i32) {
    %c0_i32 = arith.constant 0 : i32
    %c0_i32_0 = arith.constant 0 : i32
    %c0_i32_1 = arith.constant 0 : i32
    return %c0_i32, %c0_i32_0 : i32, i32
  }
  func.func @transform_8(%arg0: i32) -> (i32, i32) {
    %c0_i32 = arith.constant 0 : i32
    %c0_i32_0 = arith.constant 0 : i32
    %c0_i32_1 = arith.constant 0 : i32
    return %c0_i32, %c0_i32_0 : i32, i32
  }
  func.func @transform_9(%arg0: i32) -> (i32, i32) {
    %c0_i32 = arith.constant 0 : i32
    %c0_i32_0 = arith.constant 0 : i32
    %c0_i32_1 = arith.constant 0 : i32
    return %c0_i32, %c0_i32_0 : i32, i32
  }
  func.func @transform_10(%arg0: i32) -> (i32, i32) {
    %c0_i32 = arith.constant 0 : i32
    %c0_i32_0 = arith.constant 0 : i32
    %c0_i32_1 = arith.constant 0 : i32
    return %c0_i32, %c0_i32_0 : i32, i32
  }
  func.func @transform_11(%arg0: i32) -> (i32, i32) {
    %c0_i32 = arith.constant 0 : i32
    %c0_i32_0 = arith.constant 0 : i32
    %c0_i32_1 = arith.constant 0 : i32
    return %c0_i32, %c0_i32_0 : i32, i32
  }
  func.func @transform_12(%arg0: i32) -> (i32, i32) {
    %c0_i32 = arith.constant 0 : i32
    %c0_i32_0 = arith.constant 0 : i32
    %c0_i32_1 = arith.constant 0 : i32
    return %c0_i32, %c0_i32_0 : i32, i32
  }
  func.func @transform_13(%arg0: i32) -> (i32, i32) {
    %c0_i32 = arith.constant 0 : i32
    %c0_i32_0 = arith.constant 0 : i32
    %c0_i32_1 = arith.constant 0 : i32
    return %c0_i32, %c0_i32_0 : i32, i32
  }
  func.func @transform_14(%arg0: i32) -> (i32, i32) {
    %c0_i32 = arith.constant 0 : i32
    %c0_i32_0 = arith.constant 0 : i32
    %c0_i32_1 = arith.constant 0 : i32
    return %c0_i32, %c0_i32_0 : i32, i32
  }
  func.func @transform_15(%arg0: i32) -> (i32, i32) {
    %c0_i32 = arith.constant 0 : i32
    %c0_i32_0 = arith.constant 0 : i32
    return %c0_i32, %arg0 : i32, i32
  }
}

</mosaic_0001>

<sc_bundles>
// kernel: kernel.10.cloned.1.call-start
scs
__scs_entry_jumppad:
0x0: {  	(pc) =	sbr.rel $0x88, $3  }
0x1: {  	(tag) =	ssettag $0x0;
	lr =	simm.s32 $0x1  }
0x2: {  	[smem:$0x3F8D] =	sst lr;
	_ =	strace $0xD0000000  }
0x3: {  	_ = 	snop  }
0x4: {  	_ = 	snop  }
0x5: {  	_ = 	snop  }
0x6: {  	_ = 	snop  }
0x7: {  	_ = 	snop  }
__scs_overlays_trampoline_lowered:
0x8: {  	[smem:$0x3F9C] =	sst s0  }
0x9: {  	[smem:$0x3F9D] =	sst s1  }
0xa: {  	[smem:$0x3F9E] =	sst s2  }
0xb: {  	[smem:$0x3F9F] =	sst s3  }
0xc: {  	[smem:$0x3FA0] =	sst s4  }
0xd: {  	[smem:$0x3FA1] =	sst s5  }
0xe: {  	[smem:$0x3FA2] =	sst s6  }
0xf: {  	[smem:$0x3FA3] =	sst s7  }
0x10: {  	[smem:$0x3FA4] =	sst s8  }
0x11: {  	[smem:$0x3FA5] =	sst s9;
	s0 =	simm.s32 @!p0 $0x0  }
0x12: {  	s1 =	sld [smem:$0x3F8B];
	s0 =	simm.s32 @p0 $0x1  }
0x13: {  	[smem:$0x3FA6] =	sst s0;
	s0 =	simm.s32 @!p1 $0x0  }
0x14: {  	s2 =	sld [smem:$0x3F8A];
	s0 =	simm.s32 @p1 $0x1  }
0x15: {  	[smem:$0x3FA7] =	sst s0;
	s0 =	simm.s32 @!p2 $0x0  }
0x16: {  	s3 =	sld [smem:$0x3FDB];
	s0 =	simm.s32 @p2 $0x1  }
0x17: {  	s4 =	simm.s32 $0x1BF5;
	[smem:$0x3FA9] =	sst s0  }
0x18: {  	s0 =	sld [smem:$0x3F8C];
	_ =	swait.ge [sflag:s4], $0x0  }
0x19: {  	s7 =	sld [smem:$0x3F8D]  }
0x1a: {  	s8 =	sadd.s32 $0xFFFFE003, lr  }
0x1b: {  	s9 =	sadd.s32 $0xFFFFFEF7, lr;
	s5 =	simm.s32 $0xFFFFFFFF;
	p2 =	slt.u32 s8, $0xFFFFF086  }
0x1c: {  	p1 =	slt.u32 s9, $0xF7A;
	s5 =	simm.s32 @!p2 $0x0  }
0x1d: {  	s5 =	simm.s32 @p1 $0x1;
	p0 =	seq.s32 s7, s2  }
0x1e: {  	s7 =	smul.u32 @!p0 $0xF7A, s2;
	p2 =	seq.s32 @!p0 s5, $0x0  }
0x1f: {  	s9 =	smul.u32 $0xF7A, s1;
	s8 =	simm.s32 @!p0 $0x1BF5;
	p2 =	por !p2, p0  }
0x20: {  	[sflag:s8] =	ssyncset.s32 @!p0 $0xFFFFF086;
	s6 =	sadd.s32 @!p0 s3, s7;
	s7 =	simm.s32 @!p0 $0x108  }
0x21: {  	s3 =	sadd.s32 s3, s9;
	s6 =	sadd.s32 @!p0 $0x88, s6;
	s7 =	simm.s32 @p2 $0x1082  }
0x22: {  	[simem:s7], [sflag:s8] =	dma.local @!p0 [hbm:s6], $0xF7A  }
0x23: {  	s9 =	sor.u32 $0xD0000000, s2;
	s6 =	simm.s32 $0x108;
	_ =	swait.ge @!p0 [sflag:s8], $0x0  }
0x24: {  	s3 =	sadd.s32 $0x88, s3;
	s6 =	simm.s32 @!p1 $0x1082;
	[sflag:s4] =	ssyncset.s32 $0xFFFFF086  }
0x25: {  	[simem:s6], [sflag:s4] =	dma.local [hbm:s3], $0xF7A  }
0x26: {  	[smem:$0x3F8D] =	sst s1;
	(tag) =	ssettag s2;
	_ =	strace s9  }
0x27: {  	s1 =	sld [smem:$0x3F9D]  }
0x28: {  	s2 =	sld [smem:$0x3F9E]  }
0x29: {  	s4 =	sld [smem:$0x3FA0]  }
0x2a: {  	p0 =	seq.s32 s5, $0x0;
	s5 =	sld [smem:$0x3FA1]  }
0x2b: {  	s6 =	sld [smem:$0x3FA2]  }
0x2c: {  	s7 =	sld [smem:$0x3FA3]  }
0x2d: {  	s3 =	simm.s32 $0x108;
	s8 =	sld [smem:$0x3FA4]  }
0x2e: {  	s3 =	simm.s32 @!p0 $0x1082;
	s9 =	sld [smem:$0x3FA5]  }
0x2f: {  	lr =	sadd.s32 s0, s3;
	s0 =	sld [smem:$0x3F9C]  }
0x30: {  	s3 =	sld [smem:$0x3F9F]  }
0x31: {  	[smem:$0x3FA8] =	sst s10  }
0x32: {  	s10 =	sld [smem:$0x3FA6];
	_ =	sdelay $0x3  }
0x33: {  	p0 =	seq.s32 s10, $0x1;
	s10 =	sld [smem:$0x3FA8];
	_ =	sdelay $0x3  }
0x34: {  	[smem:$0x3FA8] =	sst s10  }
0x35: {  	s10 =	sld [smem:$0x3FA7];
	_ =	sdelay $0x3  }
0x36: {  	p1 =	seq.s32 s10, $0x1;
	s10 =	sld [smem:$0x3FA8];
	_ =	sdelay $0x3  }
0x37: {  	[smem:$0x3FA8] =	sst s10  }
0x38: {  	s10 =	sld [smem:$0x3FA9]  }
0x39: {  	_ = 	snop;
	(pc) =	sbr.ind lr, $3  }
0x3a: {  	_ = 	snop  }
0x3b: {  	_ = 	snop  }
0x3c: {  	p2 =	seq.s32 s10, $0x1;
	s10 =	sld [smem:$0x3FA8]  }
0x3d: {  	_ =	shalt  }
0x3e: {  	_ =	shalt  }
0x3f: {  	_ =	shalt  }
0x40: {  	_ =	shalt  }
0x41: {  	_ =	shalt  }
0x42: {  	_ =	shalt  }
0x43: {  	_ =	shalt  }
0x44: {  	_ =	shalt  }
0x45: {  	_ =	shalt  }
0x46: {  	_ =	shalt  }
0x47: {  	_ =	shalt  }
0x48: {  	_ =	shalt  }
0x49: {  	_ =	shalt  }
0x4a: {  	_ =	shalt  }
0x4b: {  	_ =	shalt  }
0x4c: {  	_ =	shalt  }
0x4d: {  	_ =	shalt  }
0x4e: {  	_ =	shalt  }
0x4f: {  	_ =	shalt  }
0x50: {  	_ =	shalt  }
0x51: {  	_ =	shalt  }
0x52: {  	_ =	shalt  }
0x53: {  	_ =	shalt  }
0x54: {  	_ =	shalt  }
0x55: {  	_ =	shalt  }
0x56: {  	_ =	shalt  }
0x57: {  	_ =	shalt  }
0x58: {  	_ =	shalt  }
0x59: {  	_ =	shalt  }
0x5a: {  	_ =	shalt  }
0x5b: {  	_ =	shalt  }
0x5c: {  	_ =	shalt  }
0x5d: {  	_ =	shalt  }
0x5e: {  	_ =	shalt  }
0x5f: {  	_ =	shalt  }
0x60: {  	_ =	shalt  }
0x61: {  	_ =	shalt  }
0x62: {  	_ =	shalt  }
0x63: {  	_ =	shalt  }
0x64: {  	_ =	shalt  }
0x65: {  	_ =	shalt  }
0x66: {  	_ =	shalt  }
0x67: {  	_ =	shalt  }
0x68: {  	_ =	shalt  }
0x69: {  	_ =	shalt  }
0x6a: {  	_ =	shalt  }
0x6b: {  	_ =	shalt  }
0x6c: {  	_ =	shalt  }
0x6d: {  	_ =	shalt  }
0x6e: {  	_ =	shalt  }
0x6f: {  	_ =	shalt  }
0x70: {  	_ =	shalt  }
0x71: {  	_ =	shalt  }
0x72: {  	_ =	shalt  }
0x73: {  	_ =	shalt  }
0x74: {  	_ =	shalt  }
0x75: {  	_ =	shalt  }
0x76: {  	_ =	shalt  }
0x77: {  	_ =	shalt  }
0x78: {  	_ =	shalt  }
0x79: {  	_ =	shalt  }
0x7a: {  	_ =	shalt  }
0x7b: {  	_ =	shalt  }
0x7c: {  	_ =	shalt  }
0x7d: {  	_ =	shalt  }
0x7e: {  	_ =	shalt  }
0x7f: {  	_ =	shalt  }
0x80: {  	_ =	shalt  }
0x81: {  	_ =	shalt  }
0x82: {  	_ =	shalt  }
0x83: {  	_ =	shalt  }
0x84: {  	_ =	shalt  }
0x85: {  	_ =	shalt  }
0x86: {  	_ =	shalt  }
0x87: {  	_ =	shalt  }
.Lfunc_end0:
.L_simem_size_0:
called_computation.1_lowered:
.L_overlay_start_0:
0x88: {  	s2 =	sld [smem:$0x3FD9]  }
0x89: {  	s3 =	sld [smem:$0x3FFE];
	_ =	sdelay $0x1  }
0x8a: {  	s1 =	srdreg.scid  }
0x8b: {  	s0 =	sand.u32 $0x1, s1  }
0x8c: {  	s17 =	sshll.u32 s0, $0xA;
	s2 =	sadd.s32 s3, s2  }
0x8d: {  	s2 =	sadd.s32 s2, s17  }
0x8e: {  	[smem:$0x3FB4] =	sst s2  }
0x8f: {  	_ = 	snop  }
0x90: {  	s2 =	sld [smem:$0x3FC8];
	(tm) =	ssettm $0x1  }
0x91: {  	s18 =	sld [smem:$0x3FFB];
	_ =	sdelay $0x3  }
0x92: {  	_ =	strace s18  }
0x93: {  	s3 =	sld [smem:$0x3FFC];
	_ =	sdelay $0x3  }
0x94: {  	_ =	strace s3  }
0x95: {  	s3 =	sld [smem:$0x3FFD];
	_ =	sdelay $0x3  }
0x96: {  	_ =	strace s3  }
0x97: {  	_ =	strace $0x8FFFFFFF  }
0x98: {  	s19 =	sld [smem:$0x3FDB];
	_ =	sdelay $0x1  }
0x99: {  	s4 =	simm.s32 $_scs_section_size  }
0x9a: {  	s5 =	simm.s32 $_size__tile_overlayer_lowered;
	s6 =	simm.s32 $_tile_overlayer_lowered  }
0x9b: {  	s22 =	simm.s32 $0x1BFF;
	s21 =	sshll.u32 s6, $0x1;
	s3 =	sadd.s32 s4, s19  }
0x9c: {  	s7 =	simm.s32 $0x0;
	s20 =	sshll.u32 s5, $0x1;
	s5 =	sadd.s32 s21, s3  }
0x9d: {  	[timem:s7], [sflag:s22] =	dma.local [hbm:s5], s20  }
0x9e: {  	_ =	swait.ge [sflag:s22], s20  }
0x9f: {  	s4 =	ssub.s32 $0x0, s20;
	[sflag:s22] =	ssyncset.done $0x0  }
0xa0: {  	[sflag:s22] =	ssyncadd.s32 s4;
	_ =	sdelay $0x1  }
0xa1: {  	s23 =	simm.s32 $0x1B8B  }
0xa2: {  	_ =	swait.ge [sflag:s23], $0x1  }
0xa3: {  	[sflag:s23] =	ssyncset.done $0x0  }
0xa4: {  	s25 =	simm.s32 $0x1B8E;
	s24 =	sld [smem:$0x3FFE];
	[sflag:s23] =	ssyncadd.s32 $0xFFFFFFFF  }
0xa5: {  	s26 =	simm.s32 $execute0_lowered;
	[smem:$0x3FD2] =	sst s25  }
0xa6: {  	s5 =	sshll.u32 s26, $0x1;
	_ =	strace $0x80000049;
	[dreg:$0x1] =	wrdreg $0xFFFFFFFF  }
0xa7: {  	s28 =	simm.s32 $_size_execute0_lowered;
	s3 =	sadd.s32 s3, s5;
	[dreg:$0x0] =	wrdreg $0x0  }
0xa8: {  	s5 =	sshll.u32 s28, $0x1;
	[dreg:$0x2] =	wrdreg s3  }
0xa9: {  	[dreg:$0x3] =	wrdreg s5  }
0xaa: {  	[dreg:$0x4] =	wrdreg $0xC0  }
0xab: {  	_ =	task [dreg:s7], $0x5FFFF  }
0xac: {  	[dreg:$0x1] =	wrdreg $0xFFFFFFFF  }
0xad: {  	[dreg:$0x0] =	wrdreg $0x60  }
0xae: {  	[dreg:$0x2] =	wrdreg s2  }
0xaf: {  	[dreg:$0x3] =	wrdreg s24  }
0xb0: {  	[dreg:$0x4] =	wrdreg $0x9F000  }
0xb1: {  	[dreg:$0x5] =	wrdreg $0x9  }
0xb2: {  	_ =	task.clear_ibuf [dreg:s7], $0x6FFFF;
	_ =	strace $0x90000049  }
0xb3: {  	s29 =	simm.s32 $0x9;
	_ =	strace $0x8000004B  }
0xb4: {  	_ =	swait.ge [sflag:s29], $0x1  }
0xb5: {  	[sflag:s29] =	ssyncadd.s32 $0xFFFFFFFF  }
0xb6: {  	_ =	strace $0x9000004B  }
0xb7: {  	_ =	sfence  }
0xb8: {  	s30 =	sld [smem:$0x0];
	_ =	sdelay $0x2  }
0xb9: {  	s31 =	sshll.u32 s1, $0xD;
	s1 =	sshrl.u32 s1, $0x2  }
0xba: {  	s3 =	sand.u32 $0x4000, s31;
	s1 =	sadd.s32 s1, s30  }
0xbb: {  	s0 =	sor.u32 s3, s0;
	s1 =	sshll.u32 s1, $0x11  }
0xbc: {  	s0 =	sor.u32 s1, s0  }
0xbd: {  	s0 =	sadd.s32 $0x8F2B, s0  }
0xbe: {  	[sflag:s0] =	ssyncadd.remote.s32 $0x1  }
0xbf: {  	_ =	sfence.sel $0xFFFF  }
0xc0: {  	[dreg:$0x0] =	wrdreg $0xFFFFFFFF;
	(pc) =	sbr.abs _section_cstart, $3  }
0xc1: {  	[dreg:$0x1] =	wrdreg $0xFFFFFFFF  }
0xc2: {  	_ =	task.clear_ibuf [dreg:s7], $0x2FFFF;
	_ =	strace $0x9FFFFFFF  }
0xc3: {  	(tm) =	ssettm $0x7FFFFFFF  }
tec
execute0_lowered:
.L_overlay_start_1:
0x0: {  	(tag) =	ssettag $0x1  }
0x1: {  	s5 =	rddreg [dreg:$0x0]  }
0x2: {  	s4 =	rddreg [dreg:$0x1]  }
0x3: {  	s7 =	rddreg [dreg:$0x2]  }
0x4: {  	s0 =	rddreg [dreg:$0x3]  }
0x5: {  	s3 =	srdreg.scid;
	s1 =	stileid.u32  }
0x6: {  	s2 =	simm.s32 $0x0;
	s13 =	simm.s32 $0x7700;
	s14 =	simm.s32 $0x80  }
0x7: {  	s15 =	simm.s32 $0x400;
	s16 =	simm.s32 $0x1400;
	s17 =	simm.s32 $0x14000  }
0x8: {  	s18 =	simm.s32 $0xC700;
	s19 =	simm.s32 $0x100;
	s20 =	simm.s32 $0x0  }
0x9: {  	s6 =	sand.u32 $0x1, s3;
	s22 =	smul.u32 $0x500, s1;
	[smem:$0x7FF] =	sst s2  }
0xa: {  	s9 =	sshll.u32 s1, $0x1;
	s3 =	sadd.s32 $0x3000, s4;
	s11 =	sshrl.u32 s1, $0x3  }
0xb: {  	s26 =	sshll.u32 s1, $0x7;
	s29 =	smul.u32 $0x5000, s1;
	p0 =	sgt.u32 s1, $0x1  }
0xc: {  	s8 =	sshll.u32 s6, $0x7;
	_ =	strace $0x8000004A;
	s9 =	sor.u32 s6, s9  }
0xd: {  	s6 =	ssub.s32 $0x2, s6;
	s23 =	smul.u32 $0x50000, s11;
	s30 =	sand.u32 $0x380, s26  }
0xe: {  	s11 =	simm.s32 $0x4F00;
	s8 =	sor.u32 s8, s22;
	s10 =	smul.u32 $0x4E, s9  }
0xf: {  	s9 =	smin.u32 s9, $0x4;
	s12 =	sshrl.u32 s6, $0x1;
	s31 =	sshrl.u32 s29, $0x2  }
0x10: {  	s8 =	sshrl.u32 s8, $0x3;
	s24 =	ssub.s32 s6, s12;
	s28 =	sshrl.u32 s23, $0x2  }
0x11: {  	s12 =	simm.s32 $0x1;
	s9 =	sadd.s32 s9, s10;
	s8 =	sadd.s32 s8, s4  }
0x12: {  	s4 =	smul.u32 $0x280, s1;
	s10 =	smax.u32 s24, $0x1;
	s25 =	sshll.u32 s9, $0x5  }
0x13: {  	s9 =	sadd.s32 s28, s7;
	s7 =	sadd.s32 s31, s7;
	s8 =	sadd.s32 $0x3600, s8  }
0x14: {  	v0 =	vimm.f32 $0.0e+00;
	s5 =	sadd.s32 s5, s25;
	s6 =	sadd.s32 s30, s9;
	s9 =	sadd.s32 $0x7700, s4  }
.LBB2_1:
0x15: {  	[tilespmem:s11], [sflag:$0x1] =	stream.linear.gather [hbm4b:s3+s2], $0x2800, $0x38;
	[tilespmem:$0xEF00] =	vst v63  }
0x16: {  	_ =	swait.ge [sflag:s12], $0x2800  }
0x17: {  	[sflag:s12] =	ssyncset.done $0x0  }
0x18: {  	s21 =	simm.s32 @p0 $0x0;
	[sflag:s12] =	ssyncadd.s32 $0xFFFFD800  }
0x19: {  	[tilespmem:s21], [sflag:$0x1] =	stream.linear.gather @p0 [hbm4b:s5+s21], $0x4E00, $0x38;
	[tilespmem:$0xEF00] =	vst v63  }
0x1a: {  	s21 =	simm.s32 @p0 $0x1  }
0x1b: {  	_ =	swait.ge @p0 [sflag:s21], $0x4E00  }
0x1c: {  	[sflag:s21] =	ssyncset.done @p0 $0x0  }
0x1d: {  	[sflag:s21] =	ssyncadd.s32 @p0 $0xFFFFB200;
	s21 =	simm.s32 @!p0 $0x0  }
0x1e: {  	[tilespmem:s21], [sflag:$0x1] =	stream.linear.gather @!p0 [hbm4b:s5+s21], $0x4F00, $0x38;
	[tilespmem:$0xEF00] =	vst v63  }
0x1f: {  	s21 =	simm.s32 @!p0 $0x1  }
0x20: {  	_ =	swait.ge @!p0 [sflag:s21], $0x4F00  }
0x21: {  	[sflag:s21] =	ssyncset.done @!p0 $0x0  }
0x22: {  	s22 =	simm.s32 $0x200;
	[sflag:s21] =	ssyncadd.s32 @!p0 $0xFFFFB100;
	s21 =	simm.s32 $0x0  }
.LBB2_2:
0x23: {  	p1 =	sne.s32 s22, $0x9E00;
	[tilespmem:s21+$0x7770] =	vst v0  }
0x24: {  	[tilespmem:s21+$0x7700] =	vst v0  }
0x25: {  	[tilespmem:s21+$0x7710] =	vst v0  }
.Ltmp0:
0x26: {  	[tilespmem:s21+$0x7720] =	vst v0;
	(pc) =	sbr.rel @p1 .LBB2_2-.Ltmp0, $4  }
0x27: {  	[tilespmem:s21+$0x7730] =	vst v0  }
0x28: {  	[tilespmem:s21+$0x7740] =	vst v0  }
0x29: {  	[tilespmem:s21+$0x7750] =	vst v0  }
0x2a: {  	[tilespmem:s21+$0x7760] =	vst v0;
	s21 =	sshra.s32 s22, $0x2;
	s22 =	sadd.s32 $0x200, s22  }
0x2b: {  	[tilespmem:s21+$0x7770] =	vst v0  }
0x2c: {  	[tilespmem:s21+$0x7700] =	vst v0  }
0x2d: {  	[tilespmem:s21+$0x7710] =	vst v0  }
0x2e: {  	[tilespmem:s21+$0x7720] =	vst v0  }
0x2f: {  	[tilespmem:s21+$0x7730] =	vst v0  }
0x30: {  	[tilespmem:s21+$0x7740] =	vst v0  }
0x31: {  	[tilespmem:s21+$0x7750] =	vst v0  }
0x32: {  	[tilespmem:s21+$0x7760] =	vst v0;
	s21 =	simm.s32 $0x180  }
0x33: {  	v1 =	vld [tilespmem:s21+$0xFFFFFF40]  }
0x34: {  	v2 =	vld [tilespmem:s21+$0xFFFFFF30]  }
0x35: {  	v3 =	vld [tilespmem:s21+$0x0]  }
0x36: {  	v4 =	vld [tilespmem:s21+$0xFFFFFF50]  }
0x37: {  	v5 =	vld [tilespmem:s21+$0x10]  }
0x38: {  	v6 =	vld [tilespmem:s21+$0xFFFFFF70]  }
0x39: {  	v7 =	vld [tilespmem:s21+$0xFFFFFF60]  }
0x3a: {  	v8 =	vld [tilespmem:s21+$0x20]  }
0x3b: {  	v9 =	vld [tilespmem:s21+$0xE0]  }
0x3c: {  	v10 =	vld [tilespmem:s21+$0xFFFFFF00]  }
0x3d: {  	v11 =	vld [tilespmem:s21+$0x160]  }
0x3e: {  	v12 =	vld [tilespmem:s21+$0xFFFFFE80]  }
0x3f: {  	v13 =	vld [tilespmem:s21+$0xFFFFFF80]  }
0x40: {  	v14 =	vld [tilespmem:s21+$0x170]  }
0x41: {  	v15 =	vld [tilespmem:s21+$0xB0]  }
0x42: {  	v16 =	vld [tilespmem:s21+$0xF0]  }
0x43: {  	v17 =	vld [tilespmem:s21+$0xFFFFFED0]  }
0x44: {  	v18 =	vld [tilespmem:s21+$0x70]  }
0x45: {  	v19 =	vld [tilespmem:s21+$0xFFFFFFF0]  }
0x46: {  	v20 =	vld [tilespmem:s21+$0x120]  }
0x47: {  	v21 =	vld [tilespmem:s21+$0x150]  }
0x48: {  	v22 =	vld [tilespmem:s21+$0x140]  }
0x49: {  	v23 =	vld [tilespmem:s21+$0x130]  }
0x4a: {  	v24 =	vld [tilespmem:s21+$0x50]  }
0x4b: {  	v54 =	vld [tilespmem:s21+$0xFFFFFF20]  }
0x4c: {  	v25 =	vld [tilespmem:s21+$0xFFFFFEA0]  }
0x4d: {  	v26 =	vld [tilespmem:s21+$0xA0]  }
0x4e: {  	v27 =	vld [tilespmem:s21+$0xFFFFFEF0]  }
0x4f: {  	v28 =	vld [tilespmem:s21+$0xFFFFFEE0]  }
0x50: {  	v56 =	vld [tilespmem:s21+$0x40]  }
0x51: {  	v57 =	vld [tilespmem:s21+$0x30]  }
0x52: {  	v58 =	vld [tilespmem:s21+$0x60]  }
0x53: {  	v59 =	vld [tilespmem:s21+$0xFFFFFF90]  }
0x54: {  	v60 =	vld [tilespmem:s21+$0x100]  }
0x55: {  	v61 =	vld [tilespmem:s21+$0x110]  }
0x56: {  	v29 =	vld [tilespmem:s21+$0x90]  }
0x57: {  	v62 =	vld [tilespmem:s21+$0xFFFFFFB0]  }
0x58: {  	v12 =	vld.idx.msk [tilespmem:v12+s11+$0x0], $0xffff  }
0x59: {  	v30 =	vld [tilespmem:s21+$0xFFFFFFA0]  }
0x5a: {  	v16 =	vld.idx.msk [tilespmem:v16+s11+$0x0], $0xffff  }
0x5b: {  	v9 =	vld.idx.msk [tilespmem:v9+s11+$0x0], $0xffff  }
0x5c: {  	v55 =	vld.idx.msk [tilespmem:v28+s11+$0x0], $0xffff  }
0x5d: {  	[tilespmem:v10+s13+$0x0] =	vst.idx.add.f32.msk $0xffff, v12  }
0x5e: {  	v10 =	vld [tilespmem:s21+$0xD0]  }
0x5f: {  	v12 =	vld [tilespmem:s21+$0xC0]  }
0x60: {  	v29 =	vld.idx.msk [tilespmem:v29+s11+$0x0], $0xffff  }
0x61: {  	v19 =	vld.idx.msk [tilespmem:v19+s11+$0x0], $0xffff  }
0x62: {  	v63 =	vld.idx.msk [tilespmem:v30+s11+$0x0], $0xffff  }
0x63: {  	[tilespmem:v14+s13+$0x0] =	vst.idx.add.f32.msk $0xffff, v16  }
0x64: {  	v14 =	vld [tilespmem:s21+$0xFFFFFF10]  }
0x65: {  	[tilespmem:v11+s13+$0x0] =	vst.idx.add.f32.msk $0xffff, v9  }
0x66: {  	v10 =	vld.idx.msk [tilespmem:v10+s11+$0x0], $0xffff  }
0x67: {  	v12 =	vld.idx.msk [tilespmem:v12+s11+$0x0], $0xffff  }
0x68: {  	v9 =	vld [tilespmem:s21+$0x80]  }
0x69: {  	v11 =	vld.idx.msk [tilespmem:v26+s11+$0x0], $0xffff  }
0x6a: {  	[tilespmem:v61+s13+$0x0] =	vst.idx.add.f32.msk $0xffff, v29  }
0x6b: {  	[tilespmem:v21+s13+$0x0] =	vst.idx.add.f32.msk $0xffff, v10  }
0x6c: {  	[tilespmem:v22+s13+$0x0] =	vst.idx.add.f32.msk $0xffff, v12  }
0x6d: {  	v10 =	vld.idx.msk [tilespmem:v15+s11+$0x0], $0xffff  }
0x6e: {  	v12 =	vld [tilespmem:s21+$0xFFFFFE90]  }
0x6f: {  	v16 =	vld.idx.msk [tilespmem:v62+s11+$0x0], $0xffff  }
0x70: {  	[tilespmem:v18+s13+$0x0] =	vst.idx.add.f32.msk $0xffff, v19  }
0x71: {  	[tilespmem:v8+s13+$0x0] =	vst.idx.add.f32.msk $0xffff, v63  }
0x72: {  	[tilespmem:v7+s13+$0x0] =	vst.idx.add.f32.msk $0xffff, v55  }
0x73: {  	[tilespmem:v23+s13+$0x0] =	vst.idx.add.f32.msk $0xffff, v10  }
0x74: {  	v10 =	vld.idx.msk [tilespmem:v25+s11+$0x0], $0xffff  }
0x75: {  	[tilespmem:v20+s13+$0x0] =	vst.idx.add.f32.msk $0xffff, v11  }
0x76: {  	v12 =	vld.idx.msk [tilespmem:v12+s11+$0x0], $0xffff  }
0x77: {  	v11 =	vld [tilespmem:s21+$0xFFFFFEC0]  }
0x78: {  	v9 =	vld.idx.msk [tilespmem:v9+s11+$0x0], $0xffff  }
0x79: {  	[tilespmem:v54+s13+$0x0] =	vst.idx.add.f32.msk $0xffff, v10  }
0x7a: {  	v10 =	vld [tilespmem:s21+$0xFFFFFFE0]  }
0x7b: {  	[tilespmem:v14+s13+$0x0] =	vst.idx.add.f32.msk $0xffff, v12  }
0x7c: {  	v12 =	vld [tilespmem:s21+$0xFFFFFFD0]  }
0x7d: {  	v15 =	vld [tilespmem:s21+$0xFFFFFEB0]  }
0x7e: {  	v14 =	vld [tilespmem:s21+$0xFFFFFFC0]  }
0x7f: {  	[tilespmem:v57+s13+$0x0] =	vst.idx.add.f32.msk $0xffff, v16  }
0x80: {  	[tilespmem:v60+s13+$0x0] =	vst.idx.add.f32.msk $0xffff, v9  }
0x81: {  	v9 =	vld.idx.msk [tilespmem:v13+s11+$0x0], $0xffff  }
0x82: {  	v13 =	vld.idx.msk [tilespmem:v27+s11+$0x0], $0xffff  }
0x83: {  	v31 =	vld.idx.msk [tilespmem:v10+s11+$0x0], $0xffff  }
0x84: {  	v10 =	vld.idx.msk [tilespmem:v12+s11+$0x0], $0xffff  }
0x85: {  	v7 =	vld.idx.msk [tilespmem:v15+s11+$0x0], $0xffff  }
0x86: {  	v14 =	vld.idx.msk [tilespmem:v14+s11+$0x0], $0xffff  }
0x87: {  	v12 =	vld.idx.msk [tilespmem:v59+s11+$0x0], $0xffff  }
0x88: {  	[tilespmem:v58+s13+$0x0] =	vst.idx.add.f32.msk $0xffff, v31  }
0x89: {  	[tilespmem:v24+s13+$0x0] =	vst.idx.add.f32.msk $0xffff, v10  }
0x8a: {  	v10 =	vld.idx.msk [tilespmem:v17+s11+$0x0], $0xffff  }
0x8b: {  	s22 =	simm.s32 $0x0;
	[tilespmem:v56+s13+$0x0] =	vst.idx.add.f32.msk $0xffff, v14  }
.LBB2_4:
0x8c: {  	s22 =	sadd.s32 $0x18, s22;
	v8 =	vld.idx.msk [tilespmem:v11+s11+$0x0], $0xffff;
	s21 =	sadd.s32 $0x300, s21  }
0x8d: {  	p1 =	slt.u32 s22, $0x258;
	[tilespmem:v6+s13+$0x0] =	vst.idx.add.f32.msk $0xffff, v13  }
0x8e: {  	[tilespmem:v5+s13+$0x0] =	vst.idx.add.f32.msk $0xffff, v12  }
0x8f: {  	[tilespmem:v4+s13+$0x0] =	vst.idx.add.f32.msk $0xffff, v10  }
0x90: {  	[tilespmem:v3+s13+$0x0] =	vst.idx.add.f32.msk $0xffff, v9  }
0x91: {  	[tilespmem:v2+s13+$0x0] =	vst.idx.add.f32.msk $0xffff, v7  }
0x92: {  	[tilespmem:v1+s13+$0x0] =	vst.idx.add.f32.msk $0xffff, v8  }
0x93: {  	v1 =	vld [tilespmem:s21+$0xFFFFFF40]  }
0x94: {  	v2 =	vld [tilespmem:s21+$0xFFFFFF30]  }
0x95: {  	v3 =	vld [tilespmem:s21+$0x0]  }
0x96: {  	v4 =	vld [tilespmem:s21+$0xFFFFFF50]  }
0x97: {  	v5 =	vld [tilespmem:s21+$0x10]  }
0x98: {  	v6 =	vld [tilespmem:s21+$0xFFFFFF70]  }
0x99: {  	v7 =	vld [tilespmem:s21+$0xFFFFFF60]  }
0x9a: {  	v8 =	vld [tilespmem:s21+$0x20]  }
0x9b: {  	v11 =	vld [tilespmem:s21+$0xE0]  }
0x9c: {  	v12 =	vld [tilespmem:s21+$0xFFFFFF00]  }
0x9d: {  	v13 =	vld [tilespmem:s21+$0x160]  }
0x9e: {  	v14 =	vld [tilespmem:s21+$0xFFFFFE80]  }
0x9f: {  	v9 =	vld [tilespmem:s21+$0xFFFFFF80]  }
0xa0: {  	v15 =	vld [tilespmem:s21+$0x170]  }
0xa1: {  	v16 =	vld [tilespmem:s21+$0xB0]  }
0xa2: {  	v17 =	vld [tilespmem:s21+$0xF0]  }
0xa3: {  	v10 =	vld [tilespmem:s21+$0xFFFFFED0]  }
0xa4: {  	v18 =	vld [tilespmem:s21+$0x70]  }
0xa5: {  	v19 =	vld [tilespmem:s21+$0xFFFFFFF0]  }
0xa6: {  	v14 =	vld.idx.msk [tilespmem:v14+s11+$0x0], $0xffff  }
0xa7: {  	v20 =	vld [tilespmem:s21+$0x120]  }
0xa8: {  	v21 =	vld [tilespmem:s21+$0x150]  }
0xa9: {  	v22 =	vld [tilespmem:s21+$0x140]  }
0xaa: {  	v17 =	vld.idx.msk [tilespmem:v17+s11+$0x0], $0xffff  }
0xab: {  	v23 =	vld [tilespmem:s21+$0x130]  }
0xac: {  	[tilespmem:v12+s13+$0x0] =	vst.idx.add.f32.msk $0xffff, v14  }
0xad: {  	v12 =	vld [tilespmem:s21+$0xD0]  }
0xae: {  	v14 =	vld [tilespmem:s21+$0xC0]  }
0xaf: {  	v24 =	vld [tilespmem:s21+$0x50]  }
0xb0: {  	[tilespmem:v15+s13+$0x0] =	vst.idx.add.f32.msk $0xffff, v17  }
0xb1: {  	v15 =	vld [tilespmem:s21+$0xFFFFFF10]  }
0xb2: {  	v17 =	vld [tilespmem:s21+$0xFFFFFF20]  }
0xb3: {  	v25 =	vld [tilespmem:s21+$0xFFFFFEA0]  }
0xb4: {  	v11 =	vld.idx.msk [tilespmem:v11+s11+$0x0], $0xffff  }
0xb5: {  	v12 =	vld.idx.msk [tilespmem:v12+s11+$0x0], $0xffff  }
0xb6: {  	v14 =	vld.idx.msk [tilespmem:v14+s11+$0x0], $0xffff  }
0xb7: {  	v26 =	vld [tilespmem:s21+$0xA0]  }
0xb8: {  	v27 =	vld [tilespmem:s21+$0xFFFFFEF0]  }
0xb9: {  	v28 =	vld [tilespmem:s21+$0xFFFFFEE0]  }
0xba: {  	[tilespmem:v13+s13+$0x0] =	vst.idx.add.f32.msk $0xffff, v11  }
0xbb: {  	[tilespmem:v21+s13+$0x0] =	vst.idx.add.f32.msk $0xffff, v12  }
0xbc: {  	[tilespmem:v22+s13+$0x0] =	vst.idx.add.f32.msk $0xffff, v14  }
0xbd: {  	v12 =	vld [tilespmem:s21+$0x80]  }
0xbe: {  	v11 =	vld.idx.msk [tilespmem:v16+s11+$0x0], $0xffff  }
0xbf: {  	v13 =	vld.idx.msk [tilespmem:v26+s11+$0x0], $0xffff  }
0xc0: {  	v14 =	vld [tilespmem:s21+$0xFFFFFEB0]  }
0xc1: {  	v16 =	vld.idx.msk [tilespmem:v28+s11+$0x0], $0xffff  }
0xc2: {  	v21 =	vld [tilespmem:s21+$0xFFFFFE90]  }
0xc3: {  	v22 =	vld [tilespmem:s21+$0x40]  }
0xc4: {  	[tilespmem:v23+s13+$0x0] =	vst.idx.add.f32.msk $0xffff, v11  }
0xc5: {  	[tilespmem:v20+s13+$0x0] =	vst.idx.add.f32.msk $0xffff, v13  }
0xc6: {  	v13 =	vld [tilespmem:s21+$0x30]  }
0xc7: {  	v11 =	vld [tilespmem:s21+$0xFFFFFEC0]  }
0xc8: {  	v20 =	vld [tilespmem:s21+$0x60]  }
0xc9: {  	v23 =	vld.idx.msk [tilespmem:v25+s11+$0x0], $0xffff  }
0xca: {  	v21 =	vld.idx.msk [tilespmem:v21+s11+$0x0], $0xffff  }
0xcb: {  	v25 =	vld [tilespmem:s21+$0xFFFFFF90]  }
0xcc: {  	v26 =	vld [tilespmem:s21+$0x100]  }
0xcd: {  	v28 =	vld [tilespmem:s21+$0x110]  }
0xce: {  	v29 =	vld [tilespmem:s21+$0x90]  }
0xcf: {  	[tilespmem:v17+s13+$0x0] =	vst.idx.add.f32.msk $0xffff, v23  }
0xd0: {  	[tilespmem:v15+s13+$0x0] =	vst.idx.add.f32.msk $0xffff, v21  }
0xd1: {  	v15 =	vld [tilespmem:s21+$0xFFFFFFE0]  }
0xd2: {  	v17 =	vld [tilespmem:s21+$0xFFFFFFD0]  }
0xd3: {  	v21 =	vld [tilespmem:s21+$0xFFFFFFC0]  }
0xd4: {  	v23 =	vld [tilespmem:s21+$0xFFFFFFB0]  }
0xd5: {  	v30 =	vld [tilespmem:s21+$0xFFFFFFA0]  }
0xd6: {  	v29 =	vld.idx.msk [tilespmem:v29+s11+$0x0], $0xffff  }
0xd7: {  	v12 =	vld.idx.msk [tilespmem:v12+s11+$0x0], $0xffff  }
0xd8: {  	v19 =	vld.idx.msk [tilespmem:v19+s11+$0x0], $0xffff  }
0xd9: {  	v15 =	vld.idx.msk [tilespmem:v15+s11+$0x0], $0xffff  }
0xda: {  	v17 =	vld.idx.msk [tilespmem:v17+s11+$0x0], $0xffff  }
0xdb: {  	v21 =	vld.idx.msk [tilespmem:v21+s11+$0x0], $0xffff  }
0xdc: {  	[tilespmem:v28+s13+$0x0] =	vst.idx.add.f32.msk $0xffff, v29  }
0xdd: {  	v23 =	vld.idx.msk [tilespmem:v23+s11+$0x0], $0xffff  }
0xde: {  	[tilespmem:v26+s13+$0x0] =	vst.idx.add.f32.msk $0xffff, v12  }
0xdf: {  	v26 =	vld.idx.msk [tilespmem:v30+s11+$0x0], $0xffff  }
0xe0: {  	[tilespmem:v18+s13+$0x0] =	vst.idx.add.f32.msk $0xffff, v19  }
0xe1: {  	v9 =	vld.idx.msk [tilespmem:v9+s11+$0x0], $0xffff  }
0xe2: {  	v12 =	vld.idx.msk [tilespmem:v25+s11+$0x0], $0xffff  }
0xe3: {  	[tilespmem:v24+s13+$0x0] =	vst.idx.add.f32.msk $0xffff, v17  }
0xe4: {  	v10 =	vld.idx.msk [tilespmem:v10+s11+$0x0], $0xffff  }
0xe5: {  	[tilespmem:v13+s13+$0x0] =	vst.idx.add.f32.msk $0xffff, v23  }
0xe6: {  	[tilespmem:v22+s13+$0x0] =	vst.idx.add.f32.msk $0xffff, v21  }
.Ltmp1:
0xe7: {  	v13 =	vld.idx.msk [tilespmem:v27+s11+$0x0], $0xffff;
	(pc) =	sbr.rel @p1 .LBB2_4-.Ltmp1, $4  }
0xe8: {  	[tilespmem:v20+s13+$0x0] =	vst.idx.add.f32.msk $0xffff, v15  }
0xe9: {  	[tilespmem:v8+s13+$0x0] =	vst.idx.add.f32.msk $0xffff, v26  }
0xea: {  	[tilespmem:v7+s13+$0x0] =	vst.idx.add.f32.msk $0xffff, v16  }
0xeb: {  	v7 =	vld.idx.msk [tilespmem:v14+s11+$0x0], $0xffff  }
0xec: {  	_ =	sdelay $0x3  }
0xed: {  	v8 =	vld.idx.msk [tilespmem:v11+s11+$0x0], $0xffff  }
0xee: {  	[tilespmem:v6+s13+$0x0] =	vst.idx.add.f32.msk $0xffff, v13  }
0xef: {  	[tilespmem:v5+s13+$0x0] =	vst.idx.add.f32.msk $0xffff, v12  }
0xf0: {  	[tilespmem:v4+s13+$0x0] =	vst.idx.add.f32.msk $0xffff, v10  }
0xf1: {  	[tilespmem:v3+s13+$0x0] =	vst.idx.add.f32.msk $0xffff, v9  }
0xf2: {  	[tilespmem:v2+s13+$0x0] =	vst.idx.add.f32.msk $0xffff, v7  }
0xf3: {  	[tilespmem:v1+s13+$0x0] =	vst.idx.add.f32.msk $0xffff, v8  }
0xf4: {  	v1 =	vld @!p0 [tilespmem:$0x4E00];
	_ =	sdelay $0x4  }
0xf5: {  	v2 =	vld @!p0 [tilespmem:$0x4E80];
	_ =	sdelay $0x1  }
0xf6: {  	s21 =	simm.s32 @!p0 $0x4F00  }
0xf7: {  	v1 =	vld.idx.msk @!p0 [tilespmem:v1+s21+$0x0], $0xffff;
	_ =	sdelay $0x3  }
0xf8: {  	s22 =	simm.s32 @!p0 $0x7700  }
0xf9: {  	[tilespmem:v2+s22+$0x0] =	vst.idx.add.f32.msk @!p0 $0xffff, v1  }
0xfa: {  	v1 =	vld @!p0 [tilespmem:$0x4E10];
	_ =	sdelay $0x4  }
0xfb: {  	v2 =	vld @!p0 [tilespmem:$0x4E90];
	_ =	sdelay $0x2  }
0xfc: {  	v1 =	vld.idx.msk @!p0 [tilespmem:v1+s21+$0x0], $0xffff;
	_ =	sdelay $0x4  }
0xfd: {  	[tilespmem:v2+s22+$0x0] =	vst.idx.add.f32.msk @!p0 $0xffff, v1  }
0xfe: {  	v1 =	vld @!p0 [tilespmem:$0x4E20];
	_ =	sdelay $0x4  }
0xff: {  	v2 =	vld @!p0 [tilespmem:$0x4EA0];
	_ =	sdelay $0x2  }
0x100: {  	v1 =	vld.idx.msk @!p0 [tilespmem:v1+s21+$0x0], $0xffff;
	_ =	sdelay $0x4  }
0x101: {  	[tilespmem:v2+s22+$0x0] =	vst.idx.add.f32.msk @!p0 $0xffff, v1  }
0x102: {  	v1 =	vld @!p0 [tilespmem:$0x4E30];
	_ =	sdelay $0x4  }
0x103: {  	v2 =	vld @!p0 [tilespmem:$0x4EB0];
	_ =	sdelay $0x2  }
0x104: {  	v1 =	vld.idx.msk @!p0 [tilespmem:v1+s21+$0x0], $0xffff;
	_ =	sdelay $0x4  }
0x105: {  	[tilespmem:v2+s22+$0x0] =	vst.idx.add.f32.msk @!p0 $0xffff, v1  }
0x106: {  	v1 =	vld @!p0 [tilespmem:$0x4E40];
	_ =	sdelay $0x4  }
0x107: {  	v2 =	vld @!p0 [tilespmem:$0x4EC0];
	_ =	sdelay $0x2  }
0x108: {  	v1 =	vld.idx.msk @!p0 [tilespmem:v1+s21+$0x0], $0xffff;
	_ =	sdelay $0x4  }
0x109: {  	[tilespmem:v2+s22+$0x0] =	vst.idx.add.f32.msk @!p0 $0xffff, v1  }
0x10a: {  	v1 =	vld @!p0 [tilespmem:$0x4E50];
	_ =	sdelay $0x4  }
0x10b: {  	v2 =	vld @!p0 [tilespmem:$0x4ED0];
	_ =	sdelay $0x2  }
0x10c: {  	v1 =	vld.idx.msk @!p0 [tilespmem:v1+s21+$0x0], $0xffff;
	_ =	sdelay $0x4  }
0x10d: {  	[tilespmem:v2+s22+$0x0] =	vst.idx.add.f32.msk @!p0 $0xffff, v1  }
0x10e: {  	v1 =	vld @!p0 [tilespmem:$0x4E60];
	_ =	sdelay $0x4  }
0x10f: {  	v2 =	vld @!p0 [tilespmem:$0x4EE0];
	_ =	sdelay $0x2  }
0x110: {  	v1 =	vld.idx.msk @!p0 [tilespmem:v1+s21+$0x0], $0xffff;
	_ =	sdelay $0x4  }
0x111: {  	[tilespmem:v2+s22+$0x0] =	vst.idx.add.f32.msk @!p0 $0xffff, v1  }
0x112: {  	v1 =	vld @!p0 [tilespmem:$0x4E70];
	_ =	sdelay $0x4  }
0x113: {  	v2 =	vld @!p0 [tilespmem:$0x4EF0];
	_ =	sdelay $0x2  }
0x114: {  	v1 =	vld.idx.msk @!p0 [tilespmem:v1+s21+$0x0], $0xffff;
	_ =	sdelay $0x4  }
0x115: {  	[tilespmem:v2+s22+$0x0] =	vst.idx.add.f32.msk @!p0 $0xffff, v1  }
0x116: {  	[spmem:s6] =	stream.strided.scatter [tilespmem:s13], [sflag:$0x1], $0x2800, s15, s14, $0x38;
	[tilespmem:$0xEF00] =	vst v63  }
0x117: {  	_ =	swait.ge [sflag:s12], $0x2800  }
0x118: {  	[sflag:s12] =	ssyncset.done $0x0  }
0x119: {  	[sflag:s12] =	ssyncadd.s32 $0xFFFFD800  }
0x11a: {  	[bflag:$0x0] =	sbarrier.arrive $0xFFFF  }
0x11b: {  	[tilespmem:s18], [sflag:$0x1] =	stream.strided.gather [spmem:s7], $0x2800, s17, s16, $0x38;
	[tilespmem:$0xEF00] =	vst v63  }
0x11c: {  	s25 =	simm.s32 $0x10;
	s22 =	simm.s32 $0x0;
	_ =	swait.ge [sflag:s12], $0x2800  }
0x11d: {  	s21 =	sand.u32 $0x70, s22;
	s23 =	sand.u32 $0x1C00, s22;
	[sflag:s12] =	ssyncset.done $0x0  }
0x11e: {  	s24 =	simm.s32 $0x0;
	s23 =	sor.u32 s21, s23;
	[sflag:s12] =	ssyncadd.s32 $0xFFFFD800  }
.LBB2_6:
0x11f: {  	p1 =	sne.s32 s25, $0x270;
	v1 =	vld [tilespmem:s23+$0xC780]  }
0x120: {  	v2 =	vld [tilespmem:s23+$0xC700];
	_ =	sdelay $0x1  }
0x121: {  	v3 =	vld [tilespmem:s23+$0xC800];
	_ =	sdelay $0x1  }
0x122: {  	v4 =	vld [tilespmem:s23+$0xC880]  }
0x123: {  	v1 =	vadd.f32 v1, v2  }
0x124: {  	v2 =	vld [tilespmem:s23+$0xC900]  }
0x125: {  	v1 =	vadd.f32 v3, v1  }
0x126: {  	v3 =	vld [tilespmem:s23+$0xC980]  }
0x127: {  	v1 =	vadd.f32 v4, v1  }
0x128: {  	s26 =	sor.u32 s24, s22;
	v4 =	vld [tilespmem:s23+$0xCA00]  }
0x129: {  	s26 =	sor.u32 $0x380, s26;
	v1 =	vadd.f32 v2, v1  }
0x12a: {  	v2 =	vld [tilespmem:s26+$0xC700]  }
0x12b: {  	v1 =	vadd.f32 v3, v1  }
0x12c: {  	v3 =	vld [tilespmem:s23+$0xDB00]  }
0x12d: {  	v1 =	vadd.f32 v4, v1  }
0x12e: {  	v4 =	vld [tilespmem:s23+$0xDB80]  }
0x12f: {  	v1 =	vadd.f32 v2, v1  }
0x130: {  	v2 =	vld [tilespmem:s23+$0xDC00]  }
0x131: {  	v1 =	vadd.f32 v3, v1  }
0x132: {  	v3 =	vld [tilespmem:s23+$0xDC80]  }
0x133: {  	v1 =	vadd.f32 v4, v1  }
0x134: {  	v4 =	vld [tilespmem:s23+$0xDD00]  }
0x135: {  	v1 =	vadd.f32 v2, v1  }
0x136: {  	v2 =	vld [tilespmem:s23+$0xDD80]  }
0x137: {  	v1 =	vadd.f32 v3, v1  }
0x138: {  	v3 =	vld [tilespmem:s23+$0xDE00]  }
0x139: {  	v1 =	vadd.f32 v4, v1  }
0x13a: {  	v4 =	vld [tilespmem:s23+$0xDE80]  }
0x13b: {  	v1 =	vadd.f32 v2, v1;
	_ =	sdelay $0x1  }
.Ltmp2:
0x13c: {  	v1 =	vadd.f32 v3, v1;
	(pc) =	sbr.rel @p1 .LBB2_6-.Ltmp2, $4  }
0x13d: {  	s23 =	sadd.s32 s22, s4;
	s22 =	smov.u32 s25  }
0x13e: {  	s24 =	sadd.s32 $0x80, s24;
	s23 =	sand.u32 $0x7F80, s23;
	v1 =	vadd.f32 v4, v1  }
0x13f: {  	s26 =	sand.u32 $0x1C00, s24;
	s28 =	sor.u32 s21, s23;
	s21 =	sand.u32 $0x70, s25  }
0x140: {  	s25 =	sadd.s32 $0x10, s25;
	s23 =	sor.u32 s21, s26;
	[tilespmem:s28+$0x7700] =	vst v1  }
0x141: {  	v1 =	vld [tilespmem:s23+$0xC780]  }
0x142: {  	v2 =	vld [tilespmem:s23+$0xC700];
	_ =	sdelay $0x1  }
0x143: {  	v3 =	vld [tilespmem:s23+$0xC800];
	_ =	sdelay $0x1  }
0x144: {  	v4 =	vld [tilespmem:s23+$0xC880]  }
0x145: {  	v1 =	vadd.f32 v1, v2  }
0x146: {  	v2 =	vld [tilespmem:s23+$0xC900]  }
0x147: {  	v1 =	vadd.f32 v3, v1  }
0x148: {  	v3 =	vld [tilespmem:s23+$0xC980]  }
0x149: {  	v1 =	vadd.f32 v4, v1  }
0x14a: {  	v60 =	vld [tilespmem:s23+$0xCA00];
	s24 =	sor.u32 s24, s22  }
0x14b: {  	s24 =	sor.u32 $0x380, s24;
	v1 =	vadd.f32 v2, v1  }
0x14c: {  	v2 =	vld [tilespmem:s24+$0xC700]  }
0x14d: {  	v1 =	vadd.f32 v3, v1  }
0x14e: {  	v3 =	vld [tilespmem:s23+$0xDB00]  }
0x14f: {  	v1 =	vadd.f32 v60, v1  }
0x150: {  	v61 =	vld [tilespmem:s23+$0xDB80]  }
0x151: {  	v1 =	vadd.f32 v2, v1  }
0x152: {  	v2 =	vld [tilespmem:s23+$0xDC00]  }
0x153: {  	v1 =	vadd.f32 v3, v1  }
0x154: {  	v3 =	vld [tilespmem:s23+$0xDC80]  }
0x155: {  	v1 =	vadd.f32 v61, v1  }
0x156: {  	v62 =	vld [tilespmem:s23+$0xDD00]  }
0x157: {  	v1 =	vadd.f32 v2, v1  }
0x158: {  	v2 =	vld [tilespmem:s23+$0xDD80]  }
0x159: {  	v1 =	vadd.f32 v3, v1  }
0x15a: {  	v3 =	vld [tilespmem:s23+$0xDE00]  }
0x15b: {  	v1 =	vadd.f32 v62, v1  }
0x15c: {  	v63 =	vld [tilespmem:s23+$0xDE80]  }
0x15d: {  	v1 =	vadd.f32 v2, v1;
	_ =	sdelay $0x1  }
0x15e: {  	v1 =	vadd.f32 v3, v1  }
0x15f: {  	s31 =	sadd.s32 s22, s4  }
0x160: {  	s20 =	sadd.s32 $0x1, s20;
	s22 =	sand.u32 $0x7F80, s31;
	v1 =	vadd.f32 v63, v1  }
0x161: {  	p1 =	sne.s32 s20, s10;
	s21 =	sor.u32 s21, s22  }
.Ltmp3:
0x162: {  	[tilespmem:s21+$0x7700] =	vst v1;
	(pc) =	sbr.rel @p1 .LBB2_1-.Ltmp3, $4  }
0x163: {  	[hbm4b:s8+s14] =	stream.strided.scatter [tilespmem:s9], [sflag:$0x1], $0x280, s19, s14, $0x38;
	[tilespmem:$0xEF00] =	vst v63  }
0x164: {  	_ =	swait.ge [sflag:s12], $0x280  }
0x165: {  	[sflag:s12] =	ssyncset.done $0x0  }
0x166: {  	[sflag:s12] =	ssyncadd.s32 $0xFFFFFD80  }
0x167: {  	_ =	sfence.sel $0x180000  }
0x168: {  	[bflag:$0x0] =	sbarrier.arrive $0xFFFF  }
0x169: {  	p0 =	sne.s32 s1, $0x0;
	_ =	strace $0x9000004A  }
0x16a: {  	s0 =	sadd.s32 @!p0 $0x100000, s0;
	[bflag:$0x2] =	sbarrier.arrive $0xFFFF  }
0x16b: {  	[sflag:s0] =	ssyncadd.tile.s32 @!p0 $0x1;
	_ =	shalt  }
.Lfunc_end2:
_tile_overlayer_lowered:
.L_overlay_start_2:
0x16c: {  	(tag) =	ssettag $0x2  }
0x16d: {  	s0 =	rddreg [dreg:$0x0];
	s2 =	stileid.u32  }
0x16e: {  	s1 =	rddreg [dreg:$0x1];
	p0 =	sne.s32 s2, $0x0  }
0x16f: {  	s3 =	rddreg [dreg:$0x2];
	[bflag:$0x3] =	sbarrier.arrive $0xFFFF;
	s2 =	simm.s32 @!p0 $0x1C01  }
0x170: {  	[timem:s3], [sflag:s2] =	dma.local @!p0 [hbm:s0], s1  }
0x171: {  	s0 =	simm.s32 @!p0 $0x1  }
0x172: {  	_ =	swait.ge @!p0 [sflag:s0], s1  }
0x173: {  	s1 =	ssub.s32 @!p0 $0x0, s1;
	[sflag:s0] =	ssyncset.done @!p0 $0x0  }
0x174: {  	[sflag:s0] =	ssyncadd.s32 @!p0 s1  }
0x175: {  	[bflag:$0x3] =	sbarrier.arrive $0xFFFF  }
0x176: {  	_ =	shalt  }

// kernel: kernel.7.cloned.1.call-start
scs
__scs_entry_jumppad:
0x0: {  	(pc) =	sbr.rel $0x88, $3  }
0x1: {  	(tag) =	ssettag $0x0;
	lr =	simm.s32 $0x1  }
0x2: {  	[smem:$0x3F8D] =	sst lr;
	_ =	strace $0xD0000000  }
0x3: {  	_ = 	snop  }
0x4: {  	_ = 	snop  }
0x5: {  	_ = 	snop  }
0x6: {  	_ = 	snop  }
0x7: {  	_ = 	snop  }
__scs_overlays_trampoline_lowered:
0x8: {  	[smem:$0x3F9C] =	sst s0  }
0x9: {  	[smem:$0x3F9D] =	sst s1  }
0xa: {  	[smem:$0x3F9E] =	sst s2  }
0xb: {  	[smem:$0x3F9F] =	sst s3  }
0xc: {  	[smem:$0x3FA0] =	sst s4  }
0xd: {  	[smem:$0x3FA1] =	sst s5  }
0xe: {  	[smem:$0x3FA2] =	sst s6  }
0xf: {  	[smem:$0x3FA3] =	sst s7  }
0x10: {  	[smem:$0x3FA4] =	sst s8  }
0x11: {  	[smem:$0x3FA5] =	sst s9;
	s0 =	simm.s32 @!p0 $0x0  }
0x12: {  	s1 =	sld [smem:$0x3F8B];
	s0 =	simm.s32 @p0 $0x1  }
0x13: {  	[smem:$0x3FA6] =	sst s0;
	s0 =	simm.s32 @!p1 $0x0  }
0x14: {  	s2 =	sld [smem:$0x3F8A];
	s0 =	simm.s32 @p1 $0x1  }
0x15: {  	[smem:$0x3FA7] =	sst s0;
	s0 =	simm.s32 @!p2 $0x0  }
0x16: {  	s3 =	sld [smem:$0x3FDB];
	s0 =	simm.s32 @p2 $0x1  }
0x17: {  	s4 =	simm.s32 $0x1BF5;
	[smem:$0x3FA9] =	sst s0  }
0x18: {  	s0 =	sld [smem:$0x3F8C];
	_ =	swait.ge [sflag:s4], $0x0  }
0x19: {  	s7 =	sld [smem:$0x3F8D]  }
0x1a: {  	s8 =	sadd.s32 $0xFFFFE003, lr  }
0x1b: {  	s9 =	sadd.s32 $0xFFFFFEF7, lr;
	s5 =	simm.s32 $0xFFFFFFFF;
	p2 =	slt.u32 s8, $0xFFFFF086  }
0x1c: {  	p1 =	slt.u32 s9, $0xF7A;
	s5 =	simm.s32 @!p2 $0x0  }
0x1d: {  	s5 =	simm.s32 @p1 $0x1;
	p0 =	seq.s32 s7, s2  }
0x1e: {  	s7 =	smul.u32 @!p0 $0xF7A, s2;
	p2 =	seq.s32 @!p0 s5, $0x0  }
0x1f: {  	s9 =	smul.u32 $0xF7A, s1;
	s8 =	simm.s32 @!p0 $0x1BF5;
	p2 =	por !p2, p0  }
0x20: {  	[sflag:s8] =	ssyncset.s32 @!p0 $0xFFFFF086;
	s6 =	sadd.s32 @!p0 s3, s7;
	s7 =	simm.s32 @!p0 $0x108  }
0x21: {  	s3 =	sadd.s32 s3, s9;
	s6 =	sadd.s32 @!p0 $0x88, s6;
	s7 =	simm.s32 @p2 $0x1082  }
0x22: {  	[simem:s7], [sflag:s8] =	dma.local @!p0 [hbm:s6], $0xF7A  }
0x23: {  	s9 =	sor.u32 $0xD0000000, s2;
	s6 =	simm.s32 $0x108;
	_ =	swait.ge @!p0 [sflag:s8], $0x0  }
0x24: {  	s3 =	sadd.s32 $0x88, s3;
	s6 =	simm.s32 @!p1 $0x1082;
	[sflag:s4] =	ssyncset.s32 $0xFFFFF086  }
0x25: {  	[simem:s6], [sflag:s4] =	dma.local [hbm:s3], $0xF7A  }
0x26: {  	[smem:$0x3F8D] =	sst s1;
	(tag) =	ssettag s2;
	_ =	strace s9  }
0x27: {  	s1 =	sld [smem:$0x3F9D]  }
0x28: {  	s2 =	sld [smem:$0x3F9E]  }
0x29: {  	s4 =	sld [smem:$0x3FA0]  }
0x2a: {  	p0 =	seq.s32 s5, $0x0;
	s5 =	sld [smem:$0x3FA1]  }
0x2b: {  	s6 =	sld [smem:$0x3FA2]  }
0x2c: {  	s7 =	sld [smem:$0x3FA3]  }
0x2d: {  	s3 =	simm.s32 $0x108;
	s8 =	sld [smem:$0x3FA4]  }
0x2e: {  	s3 =	simm.s32 @!p0 $0x1082;
	s9 =	sld [smem:$0x3FA5]  }
0x2f: {  	lr =	sadd.s32 s0, s3;
	s0 =	sld [smem:$0x3F9C]  }
0x30: {  	s3 =	sld [smem:$0x3F9F]  }
0x31: {  	[smem:$0x3FA8] =	sst s10  }
0x32: {  	s10 =	sld [smem:$0x3FA6];
	_ =	sdelay $0x3  }
0x33: {  	p0 =	seq.s32 s10, $0x1;
	s10 =	sld [smem:$0x3FA8];
	_ =	sdelay $0x3  }
0x34: {  	[smem:$0x3FA8] =	sst s10  }
0x35: {  	s10 =	sld [smem:$0x3FA7];
	_ =	sdelay $0x3  }
0x36: {  	p1 =	seq.s32 s10, $0x1;
	s10 =	sld [smem:$0x3FA8];
	_ =	sdelay $0x3  }
0x37: {  	[smem:$0x3FA8] =	sst s10  }
0x38: {  	s10 =	sld [smem:$0x3FA9]  }
0x39: {  	_ = 	snop;
	(pc) =	sbr.ind lr, $3  }
0x3a: {  	_ = 	snop  }
0x3b: {  	_ = 	snop  }
0x3c: {  	p2 =	seq.s32 s10, $0x1;
	s10 =	sld [smem:$0x3FA8]  }
0x3d: {  	_ =	shalt  }
0x3e: {  	_ =	shalt  }
0x3f: {  	_ =	shalt  }
0x40: {  	_ =	shalt  }
0x41: {  	_ =	shalt  }
0x42: {  	_ =	shalt  }
0x43: {  	_ =	shalt  }
0x44: {  	_ =	shalt  }
0x45: {  	_ =	shalt  }
0x46: {  	_ =	shalt  }
0x47: {  	_ =	shalt  }
0x48: {  	_ =	shalt  }
0x49: {  	_ =	shalt  }
0x4a: {  	_ =	shalt  }
0x4b: {  	_ =	shalt  }
0x4c: {  	_ =	shalt  }
0x4d: {  	_ =	shalt  }
0x4e: {  	_ =	shalt  }
0x4f: {  	_ =	shalt  }
0x50: {  	_ =	shalt  }
0x51: {  	_ =	shalt  }
0x52: {  	_ =	shalt  }
0x53: {  	_ =	shalt  }
0x54: {  	_ =	shalt  }
0x55: {  	_ =	shalt  }
0x56: {  	_ =	shalt  }
0x57: {  	_ =	shalt  }
0x58: {  	_ =	shalt  }
0x59: {  	_ =	shalt  }
0x5a: {  	_ =	shalt  }
0x5b: {  	_ =	shalt  }
0x5c: {  	_ =	shalt  }
0x5d: {  	_ =	shalt  }
0x5e: {  	_ =	shalt  }
0x5f: {  	_ =	shalt  }
0x60: {  	_ =	shalt  }
0x61: {  	_ =	shalt  }
0x62: {  	_ =	shalt  }
0x63: {  	_ =	shalt  }
0x64: {  	_ =	shalt  }
0x65: {  	_ =	shalt  }
0x66: {  	_ =	shalt  }
0x67: {  	_ =	shalt  }
0x68: {  	_ =	shalt  }
0x69: {  	_ =	shalt  }
0x6a: {  	_ =	shalt  }
0x6b: {  	_ =	shalt  }
0x6c: {  	_ =	shalt  }
0x6d: {  	_ =	shalt  }
0x6e: {  	_ =	shalt  }
0x6f: {  	_ =	shalt  }
0x70: {  	_ =	shalt  }
0x71: {  	_ =	shalt  }
0x72: {  	_ =	shalt  }
0x73: {  	_ =	shalt  }
0x74: {  	_ =	shalt  }
0x75: {  	_ =	shalt  }
0x76: {  	_ =	shalt  }
0x77: {  	_ =	shalt  }
0x78: {  	_ =	shalt  }
0x79: {  	_ =	shalt  }
0x7a: {  	_ =	shalt  }
0x7b: {  	_ =	shalt  }
0x7c: {  	_ =	shalt  }
0x7d: {  	_ =	shalt  }
0x7e: {  	_ =	shalt  }
0x7f: {  	_ =	shalt  }
0x80: {  	_ =	shalt  }
0x81: {  	_ =	shalt  }
0x82: {  	_ =	shalt  }
0x83: {  	_ =	shalt  }
0x84: {  	_ =	shalt  }
0x85: {  	_ =	shalt  }
0x86: {  	_ =	shalt  }
0x87: {  	_ =	shalt  }
.Lfunc_end0:
.L_simem_size_0:
called_computation_lowered:
.L_overlay_start_0:
0x88: {  	s2 =	sld [smem:$0x3FD9]  }
0x89: {  	s3 =	sld [smem:$0x3FFE];
	_ =	sdelay $0x1  }
0x8a: {  	s1 =	srdreg.scid  }
0x8b: {  	s0 =	sand.u32 $0x1, s1  }
0x8c: {  	s17 =	sshll.u32 s0, $0xA;
	s2 =	sadd.s32 s3, s2  }
0x8d: {  	s2 =	sadd.s32 s2, s17  }
0x8e: {  	[smem:$0x3FB4] =	sst s2  }
0x8f: {  	_ = 	snop  }
0x90: {  	s2 =	sld [smem:$0x3FC8];
	(tm) =	ssettm $0x1  }
0x91: {  	s18 =	sld [smem:$0x3FFB];
	_ =	sdelay $0x3  }
0x92: {  	_ =	strace s18  }
0x93: {  	s3 =	sld [smem:$0x3FFC];
	_ =	sdelay $0x3  }
0x94: {  	_ =	strace s3  }
0x95: {  	s3 =	sld [smem:$0x3FFD];
	_ =	sdelay $0x3  }
0x96: {  	_ =	strace s3  }
0x97: {  	_ =	strace $0x8FFFFFFF  }
0x98: {  	s19 =	sld [smem:$0x3FDB];
	_ =	sdelay $0x1  }
0x99: {  	s4 =	simm.s32 $_scs_section_size  }
0x9a: {  	s5 =	simm.s32 $_size__tile_overlayer_lowered;
	s6 =	simm.s32 $_tile_overlayer_lowered  }
0x9b: {  	s22 =	simm.s32 $0x1BFF;
	s21 =	sshll.u32 s6, $0x1;
	s3 =	sadd.s32 s4, s19  }
0x9c: {  	s7 =	simm.s32 $0x0;
	s20 =	sshll.u32 s5, $0x1;
	s5 =	sadd.s32 s21, s3  }
0x9d: {  	[timem:s7], [sflag:s22] =	dma.local [hbm:s5], s20  }
0x9e: {  	_ =	swait.ge [sflag:s22], s20  }
0x9f: {  	s4 =	ssub.s32 $0x0, s20;
	[sflag:s22] =	ssyncset.done $0x0  }
0xa0: {  	[sflag:s22] =	ssyncadd.s32 s4;
	_ =	sdelay $0x1  }
0xa1: {  	s23 =	simm.s32 $0x1B8B  }
0xa2: {  	_ =	swait.ge [sflag:s23], $0x1  }
0xa3: {  	[sflag:s23] =	ssyncset.done $0x0  }
0xa4: {  	s25 =	simm.s32 $0x1B8E;
	s24 =	sld [smem:$0x3FFE];
	[sflag:s23] =	ssyncadd.s32 $0xFFFFFFFF  }
0xa5: {  	s26 =	simm.s32 $execute0_lowered;
	[smem:$0x3FD2] =	sst s25  }
0xa6: {  	s5 =	sshll.u32 s26, $0x1;
	_ =	strace $0x80000046;
	[dreg:$0x1] =	wrdreg $0xFFFFFFFF  }
0xa7: {  	s28 =	simm.s32 $_size_execute0_lowered;
	s3 =	sadd.s32 s3, s5;
	[dreg:$0x0] =	wrdreg $0x0  }
0xa8: {  	s5 =	sshll.u32 s28, $0x1;
	[dreg:$0x2] =	wrdreg s3  }
0xa9: {  	[dreg:$0x3] =	wrdreg s5  }
0xaa: {  	[dreg:$0x4] =	wrdreg $0xC0  }
0xab: {  	_ =	task [dreg:s7], $0x5FFFF  }
0xac: {  	[dreg:$0x1] =	wrdreg $0xFFFFFFFF  }
0xad: {  	[dreg:$0x0] =	wrdreg $0x60  }
0xae: {  	[dreg:$0x2] =	wrdreg s2  }
0xaf: {  	[dreg:$0x3] =	wrdreg s24  }
0xb0: {  	[dreg:$0x4] =	wrdreg $0x77000  }
0xb1: {  	[dreg:$0x5] =	wrdreg $0x9  }
0xb2: {  	_ =	task.clear_ibuf [dreg:s7], $0x6FFFF;
	_ =	strace $0x90000046  }
0xb3: {  	s29 =	simm.s32 $0x9;
	_ =	strace $0x80000048  }
0xb4: {  	_ =	swait.ge [sflag:s29], $0x1  }
0xb5: {  	[sflag:s29] =	ssyncadd.s32 $0xFFFFFFFF  }
0xb6: {  	_ =	strace $0x90000048  }
0xb7: {  	_ =	sfence  }
0xb8: {  	s30 =	sld [smem:$0x0];
	_ =	sdelay $0x2  }
0xb9: {  	s31 =	sshll.u32 s1, $0xD;
	s1 =	sshrl.u32 s1, $0x2  }
0xba: {  	s3 =	sand.u32 $0x4000, s31;
	s1 =	sadd.s32 s1, s30  }
0xbb: {  	s0 =	sor.u32 s3, s0;
	s1 =	sshll.u32 s1, $0x11  }
0xbc: {  	s0 =	sor.u32 s1, s0  }
0xbd: {  	s0 =	sadd.s32 $0x8F2B, s0  }
0xbe: {  	[sflag:s0] =	ssyncadd.remote.s32 $0x1  }
0xbf: {  	_ =	sfence.sel $0xFFFF  }
0xc0: {  	[dreg:$0x0] =	wrdreg $0xFFFFFFFF;
	(pc) =	sbr.abs _section_cstart, $3  }
0xc1: {  	[dreg:$0x1] =	wrdreg $0xFFFFFFFF  }
0xc2: {  	_ =	task.clear_ibuf [dreg:s7], $0x2FFFF;
	_ =	strace $0x9FFFFFFF  }
0xc3: {  	(tm) =	ssettm $0x7FFFFFFF  }
tec
execute0_lowered:
.L_overlay_start_1:
0x0: {  	(tag) =	ssettag $0x1  }
0x1: {  	s4 =	rddreg [dreg:$0x0]  }
0x2: {  	s3 =	rddreg [dreg:$0x1];
	s1 =	srdreg.scid  }
0x3: {  	s0 =	stileid.u32;
	s6 =	rddreg [dreg:$0x2];
	s2 =	simm.s32 $0x0  }
0x4: {  	s12 =	simm.s32 $0x400;
	s13 =	simm.s32 $0x1;
	s14 =	simm.s32 $0x1400  }
0x5: {  	s15 =	simm.s32 $0x14000;
	s16 =	simm.s32 $0x9F00;
	s17 =	simm.s32 $0x100  }
0x6: {  	s5 =	sand.u32 $0x1, s1;
	s7 =	smul.u32 $0x500, s0;
	s1 =	rddreg [dreg:$0x3]  }
0x7: {  	[smem:$0x7FF] =	sst s2;
	s22 =	sshll.u32 s0, $0x1;
	s10 =	sshrl.u32 s0, $0x3  }
0x8: {  	s28 =	sshll.u32 s0, $0x7;
	s29 =	smul.u32 $0x5000, s0;
	p0 =	sgt.u32 s0, $0x1  }
0x9: {  	s8 =	sshll.u32 s5, $0x7;
	_ =	strace $0x80000047;
	s23 =	ssub.s32 $0x2, s5  }
0xa: {  	s5 =	sor.u32 s5, s22;
	s26 =	smul.u32 $0x50000, s10;
	s10 =	simm.s32 $0x4F00  }
0xb: {  	s7 =	sor.u32 s8, s7;
	s24 =	sshrl.u32 s23, $0x1;
	s9 =	smul.u32 $0x4E, s5  }
0xc: {  	s25 =	smin.u32 s5, $0x4;
	s8 =	sand.u32 $0x380, s28;
	s7 =	sshrl.u32 s7, $0x3  }
0xd: {  	s11 =	ssub.s32 s23, s24;
	s31 =	sshrl.u32 s26, $0x2;
	s7 =	sadd.s32 s7, s3  }
0xe: {  	s3 =	sadd.s32 s25, s9;
	s5 =	sadd.s32 s31, s6;
	s9 =	sshrl.u32 s29, $0x2  }
0xf: {  	s30 =	sshll.u32 s3, $0x5;
	s3 =	smul.u32 $0x280, s0;
	s5 =	sadd.s32 s8, s5  }
0x10: {  	s6 =	sadd.s32 s9, s6;
	s7 =	sadd.s32 $0x3000, s7;
	s9 =	smax.u32 s11, $0x1  }
0x11: {  	v0 =	vimm.f32 $0.0e+00;
	v1 =	vimm.f32 $1.000000000e+00;
	s11 =	simm.s32 $0x80;
	s4 =	sadd.s32 s4, s30;
	s8 =	sadd.s32 $0x4F00, s3  }
.LBB2_1:
0x12: {  	s18 =	simm.s32 @p0 $0x0  }
0x13: {  	[tilespmem:s18], [sflag:$0x1] =	stream.linear.gather @p0 [hbm4b:s4+s18], $0x4E00, $0x38;
	[tilespmem:$0xC700] =	vst v63  }
0x14: {  	s18 =	simm.s32 @p0 $0x1  }
0x15: {  	_ =	swait.ge @p0 [sflag:s18], $0x4E00  }
0x16: {  	[sflag:s18] =	ssyncset.done @p0 $0x0  }
0x17: {  	[sflag:s18] =	ssyncadd.s32 @p0 $0xFFFFB200;
	s18 =	simm.s32 @!p0 $0x0  }
0x18: {  	[tilespmem:s18], [sflag:$0x1] =	stream.linear.gather @!p0 [hbm4b:s4+s18], $0x4F00, $0x38;
	[tilespmem:$0xC700] =	vst v63  }
0x19: {  	s18 =	simm.s32 @!p0 $0x1  }
0x1a: {  	_ =	swait.ge @!p0 [sflag:s18], $0x4F00  }
0x1b: {  	[sflag:s18] =	ssyncset.done @!p0 $0x0  }
0x1c: {  	s19 =	simm.s32 $0x200;
	[sflag:s18] =	ssyncadd.s32 @!p0 $0xFFFFB100;
	s18 =	simm.s32 $0x0  }
.LBB2_2:
0x1d: {  	p1 =	sne.s32 s19, $0x9E00;
	[tilespmem:s18+$0x4F70] =	vst v0  }
0x1e: {  	[tilespmem:s18+$0x4F00] =	vst v0  }
0x1f: {  	[tilespmem:s18+$0x4F10] =	vst v0  }
.Ltmp0:
0x20: {  	[tilespmem:s18+$0x4F20] =	vst v0;
	(pc) =	sbr.rel @p1 .LBB2_2-.Ltmp0, $4  }
0x21: {  	[tilespmem:s18+$0x4F30] =	vst v0  }
0x22: {  	[tilespmem:s18+$0x4F40] =	vst v0  }
0x23: {  	[tilespmem:s18+$0x4F50] =	vst v0  }
0x24: {  	[tilespmem:s18+$0x4F60] =	vst v0;
	s18 =	sshra.s32 s19, $0x2;
	s19 =	sadd.s32 $0x200, s19  }
0x25: {  	[tilespmem:s18+$0x4F70] =	vst v0  }
0x26: {  	[tilespmem:s18+$0x4F00] =	vst v0  }
0x27: {  	[tilespmem:s18+$0x4F10] =	vst v0  }
0x28: {  	[tilespmem:s18+$0x4F20] =	vst v0  }
0x29: {  	[tilespmem:s18+$0x4F30] =	vst v0  }
0x2a: {  	[tilespmem:s18+$0x4F40] =	vst v0  }
0x2b: {  	[tilespmem:s18+$0x4F50] =	vst v0  }
0x2c: {  	[tilespmem:s18+$0x4F60] =	vst v0;
	s18 =	simm.s32 $0x180  }
0x2d: {  	v3 =	vld [tilespmem:s18+$0x140]  }
0x2e: {  	v4 =	vld [tilespmem:s18+$0xFFFFFF00]  }
0x2f: {  	v2 =	vld [tilespmem:s18+$0xFFFFFF10]  }
0x30: {  	v5 =	vld [tilespmem:s18+$0xFFFFFF20]  }
0x31: {  	v6 =	vld [tilespmem:s18+$0x120]  }
0x32: {  	v7 =	vld [tilespmem:s18+$0x110]  }
0x33: {  	v8 =	vld [tilespmem:s18+$0x170]  }
0x34: {  	v9 =	vld [tilespmem:s18+$0x160]  }
0x35: {  	v10 =	vld [tilespmem:s18+$0x150]  }
0x36: {  	v57 =	vld [tilespmem:s18+$0xFFFFFF60]  }
0x37: {  	v11 =	vld [tilespmem:s18+$0xFFFFFF70]  }
0x38: {  	v12 =	vld [tilespmem:s18+$0x0]  }
0x39: {  	v13 =	vld [tilespmem:s18+$0x130]  }
0x3a: {  	v58 =	vld [tilespmem:s18+$0xFFFFFF40]  }
0x3b: {  	v59 =	vld [tilespmem:s18+$0xFFFFFF50]  }
0x3c: {  	v60 =	vld [tilespmem:s18+$0x100]  }
0x3d: {  	v61 =	vld [tilespmem:s18+$0x70]  }
0x3e: {  	v62 =	vld [tilespmem:s18+$0x60]  }
0x3f: {  	v63 =	vld [tilespmem:s18+$0x50]  }
0x40: {  	v14 =	vld [tilespmem:s18+$0x40]  }
0x41: {  	v15 =	vld [tilespmem:s18+$0x30]  }
0x42: {  	v16 =	vld [tilespmem:s18+$0x20]  }
0x43: {  	v17 =	vld [tilespmem:s18+$0x10]  }
0x44: {  	[tilespmem:v4+s10+$0x0] =	vst.idx.add.f32.msk $0xffff, v1  }
0x45: {  	[tilespmem:v8+s10+$0x0] =	vst.idx.add.f32.msk $0xffff, v1  }
0x46: {  	[tilespmem:v9+s10+$0x0] =	vst.idx.add.f32.msk $0xffff, v1  }
0x47: {  	[tilespmem:v10+s10+$0x0] =	vst.idx.add.f32.msk $0xffff, v1  }
0x48: {  	[tilespmem:v3+s10+$0x0] =	vst.idx.add.f32.msk $0xffff, v1  }
0x49: {  	v3 =	vld [tilespmem:s18+$0xFFFFFF30]  }
0x4a: {  	[tilespmem:v13+s10+$0x0] =	vst.idx.add.f32.msk $0xffff, v1  }
0x4b: {  	[tilespmem:v6+s10+$0x0] =	vst.idx.add.f32.msk $0xffff, v1  }
0x4c: {  	[tilespmem:v7+s10+$0x0] =	vst.idx.add.f32.msk $0xffff, v1  }
0x4d: {  	[tilespmem:v60+s10+$0x0] =	vst.idx.add.f32.msk $0xffff, v1  }
0x4e: {  	[tilespmem:v61+s10+$0x0] =	vst.idx.add.f32.msk $0xffff, v1  }
0x4f: {  	[tilespmem:v62+s10+$0x0] =	vst.idx.add.f32.msk $0xffff, v1  }
0x50: {  	[tilespmem:v63+s10+$0x0] =	vst.idx.add.f32.msk $0xffff, v1  }
0x51: {  	[tilespmem:v14+s10+$0x0] =	vst.idx.add.f32.msk $0xffff, v1  }
0x52: {  	[tilespmem:v15+s10+$0x0] =	vst.idx.add.f32.msk $0xffff, v1  }
0x53: {  	[tilespmem:v16+s10+$0x0] =	vst.idx.add.f32.msk $0xffff, v1  }
0x54: {  	[tilespmem:v17+s10+$0x0] =	vst.idx.add.f32.msk $0xffff, v1  }
0x55: {  	[tilespmem:v12+s10+$0x0] =	vst.idx.add.f32.msk $0xffff, v1  }
0x56: {  	[tilespmem:v11+s10+$0x0] =	vst.idx.add.f32.msk $0xffff, v1  }
0x57: {  	[tilespmem:v57+s10+$0x0] =	vst.idx.add.f32.msk $0xffff, v1  }
0x58: {  	[tilespmem:v59+s10+$0x0] =	vst.idx.add.f32.msk $0xffff, v1  }
0x59: {  	[tilespmem:v58+s10+$0x0] =	vst.idx.add.f32.msk $0xffff, v1  }
0x5a: {  	[tilespmem:v5+s10+$0x0] =	vst.idx.add.f32.msk $0xffff, v1  }
0x5b: {  	s19 =	simm.s32 $0x0;
	[tilespmem:v3+s10+$0x0] =	vst.idx.add.f32.msk $0xffff, v1  }
.LBB2_4:
0x5c: {  	s19 =	sadd.s32 $0x18, s19;
	[tilespmem:v2+s10+$0x0] =	vst.idx.add.f32.msk $0xffff, v1;
	s18 =	sadd.s32 $0x300, s18  }
0x5d: {  	v3 =	vld [tilespmem:s18+$0x140];
	p1 =	slt.u32 s19, $0x258  }
0x5e: {  	v4 =	vld [tilespmem:s18+$0xFFFFFF00]  }
0x5f: {  	v2 =	vld [tilespmem:s18+$0xFFFFFF10]  }
0x60: {  	v5 =	vld [tilespmem:s18+$0xFFFFFF20]  }
0x61: {  	v6 =	vld [tilespmem:s18+$0x120]  }
0x62: {  	v7 =	vld [tilespmem:s18+$0x110]  }
0x63: {  	v8 =	vld [tilespmem:s18+$0x170]  }
0x64: {  	v9 =	vld [tilespmem:s18+$0x160]  }
0x65: {  	v10 =	vld [tilespmem:s18+$0x150]  }
0x66: {  	[tilespmem:v4+s10+$0x0] =	vst.idx.add.f32.msk $0xffff, v1  }
0x67: {  	v4 =	vld [tilespmem:s18+$0xFFFFFF60]  }
0x68: {  	v11 =	vld [tilespmem:s18+$0xFFFFFF70]  }
0x69: {  	v12 =	vld [tilespmem:s18+$0x0]  }
0x6a: {  	v13 =	vld [tilespmem:s18+$0x130]  }
0x6b: {  	[tilespmem:v8+s10+$0x0] =	vst.idx.add.f32.msk $0xffff, v1  }
0x6c: {  	[tilespmem:v9+s10+$0x0] =	vst.idx.add.f32.msk $0xffff, v1  }
0x6d: {  	[tilespmem:v10+s10+$0x0] =	vst.idx.add.f32.msk $0xffff, v1  }
0x6e: {  	[tilespmem:v3+s10+$0x0] =	vst.idx.add.f32.msk $0xffff, v1  }
0x6f: {  	v3 =	vld [tilespmem:s18+$0xFFFFFF30]  }
0x70: {  	v8 =	vld [tilespmem:s18+$0xFFFFFF40]  }
0x71: {  	v9 =	vld [tilespmem:s18+$0xFFFFFF50]  }
0x72: {  	[tilespmem:v13+s10+$0x0] =	vst.idx.add.f32.msk $0xffff, v1  }
0x73: {  	[tilespmem:v6+s10+$0x0] =	vst.idx.add.f32.msk $0xffff, v1  }
0x74: {  	[tilespmem:v7+s10+$0x0] =	vst.idx.add.f32.msk $0xffff, v1  }
0x75: {  	v6 =	vld [tilespmem:s18+$0x100]  }
0x76: {  	v7 =	vld [tilespmem:s18+$0x70]  }
0x77: {  	v10 =	vld [tilespmem:s18+$0x60]  }
0x78: {  	v13 =	vld [tilespmem:s18+$0x50]  }
0x79: {  	v14 =	vld [tilespmem:s18+$0x40]  }
0x7a: {  	v15 =	vld [tilespmem:s18+$0x30]  }
0x7b: {  	v16 =	vld [tilespmem:s18+$0x20]  }
0x7c: {  	v17 =	vld [tilespmem:s18+$0x10]  }
0x7d: {  	[tilespmem:v6+s10+$0x0] =	vst.idx.add.f32.msk $0xffff, v1  }
0x7e: {  	[tilespmem:v7+s10+$0x0] =	vst.idx.add.f32.msk $0xffff, v1  }
0x7f: {  	[tilespmem:v10+s10+$0x0] =	vst.idx.add.f32.msk $0xffff, v1  }
0x80: {  	[tilespmem:v13+s10+$0x0] =	vst.idx.add.f32.msk $0xffff, v1  }
0x81: {  	[tilespmem:v14+s10+$0x0] =	vst.idx.add.f32.msk $0xffff, v1  }
0x82: {  	[tilespmem:v15+s10+$0x0] =	vst.idx.add.f32.msk $0xffff, v1  }
0x83: {  	[tilespmem:v16+s10+$0x0] =	vst.idx.add.f32.msk $0xffff, v1  }
0x84: {  	[tilespmem:v17+s10+$0x0] =	vst.idx.add.f32.msk $0xffff, v1  }
0x85: {  	[tilespmem:v12+s10+$0x0] =	vst.idx.add.f32.msk $0xffff, v1  }
0x86: {  	[tilespmem:v11+s10+$0x0] =	vst.idx.add.f32.msk $0xffff, v1  }
.Ltmp1:
0x87: {  	[tilespmem:v4+s10+$0x0] =	vst.idx.add.f32.msk $0xffff, v1;
	(pc) =	sbr.rel @p1 .LBB2_4-.Ltmp1, $4  }
0x88: {  	[tilespmem:v9+s10+$0x0] =	vst.idx.add.f32.msk $0xffff, v1  }
0x89: {  	[tilespmem:v8+s10+$0x0] =	vst.idx.add.f32.msk $0xffff, v1  }
0x8a: {  	[tilespmem:v3+s10+$0x0] =	vst.idx.add.f32.msk $0xffff, v1  }
0x8b: {  	[tilespmem:v5+s10+$0x0] =	vst.idx.add.f32.msk $0xffff, v1  }
0x8c: {  	_ =	sdelay $0x3  }
0x8d: {  	[tilespmem:v2+s10+$0x0] =	vst.idx.add.f32.msk $0xffff, v1  }
0x8e: {  	v2 =	vld @!p0 [tilespmem:$0x4E80];
	_ =	sdelay $0x6  }
0x8f: {  	v3 =	vimm.f32 @!p0 $1.000000000e+00;
	s18 =	simm.s32 @!p0 $0x4F00  }
0x90: {  	[tilespmem:v2+s18+$0x0] =	vst.idx.add.f32.msk @!p0 $0xffff, v3  }
0x91: {  	v2 =	vld @!p0 [tilespmem:$0x4E90];
	_ =	sdelay $0x7  }
0x92: {  	[tilespmem:v2+s18+$0x0] =	vst.idx.add.f32.msk @!p0 $0xffff, v3  }
0x93: {  	v2 =	vld @!p0 [tilespmem:$0x4EA0];
	_ =	sdelay $0x7  }
0x94: {  	[tilespmem:v2+s18+$0x0] =	vst.idx.add.f32.msk @!p0 $0xffff, v3  }
0x95: {  	v2 =	vld @!p0 [tilespmem:$0x4EB0];
	_ =	sdelay $0x7  }
0x96: {  	[tilespmem:v2+s18+$0x0] =	vst.idx.add.f32.msk @!p0 $0xffff, v3  }
0x97: {  	v2 =	vld @!p0 [tilespmem:$0x4EC0];
	_ =	sdelay $0x7  }
0x98: {  	[tilespmem:v2+s18+$0x0] =	vst.idx.add.f32.msk @!p0 $0xffff, v3  }
0x99: {  	v2 =	vld @!p0 [tilespmem:$0x4ED0];
	_ =	sdelay $0x7  }
0x9a: {  	[tilespmem:v2+s18+$0x0] =	vst.idx.add.f32.msk @!p0 $0xffff, v3  }
0x9b: {  	v2 =	vld @!p0 [tilespmem:$0x4EE0];
	_ =	sdelay $0x7  }
0x9c: {  	[tilespmem:v2+s18+$0x0] =	vst.idx.add.f32.msk @!p0 $0xffff, v3  }
0x9d: {  	v2 =	vld @!p0 [tilespmem:$0x4EF0];
	_ =	sdelay $0x7  }
0x9e: {  	[tilespmem:v2+s18+$0x0] =	vst.idx.add.f32.msk @!p0 $0xffff, v3  }
0x9f: {  	[spmem:s5] =	stream.strided.scatter [tilespmem:s10], [sflag:$0x1], $0x2800, s12, s11, $0x38;
	[tilespmem:$0xC700] =	vst v63  }
0xa0: {  	_ =	swait.ge [sflag:s13], $0x2800  }
0xa1: {  	[sflag:s13] =	ssyncset.done $0x0  }
0xa2: {  	[sflag:s13] =	ssyncadd.s32 $0xFFFFD800  }
0xa3: {  	[bflag:$0x0] =	sbarrier.arrive $0xFFFF  }
0xa4: {  	[tilespmem:s16], [sflag:$0x1] =	stream.strided.gather [spmem:s6], $0x2800, s15, s14, $0x38;
	[tilespmem:$0xC700] =	vst v63  }
0xa5: {  	s19 =	simm.s32 $0x0;
	s22 =	simm.s32 $0x10;
	_ =	swait.ge [sflag:s13], $0x2800  }
0xa6: {  	s20 =	sand.u32 $0x1C00, s19;
	s18 =	sand.u32 $0x70, s19;
	[sflag:s13] =	ssyncset.done $0x0  }
0xa7: {  	s21 =	simm.s32 $0x0;
	s20 =	sor.u32 s18, s20;
	[sflag:s13] =	ssyncadd.s32 $0xFFFFD800  }
.LBB2_6:
0xa8: {  	p1 =	sne.s32 s22, $0x270;
	v2 =	vld [tilespmem:s20+$0x9F80]  }
0xa9: {  	v3 =	vld [tilespmem:s20+$0x9F00];
	_ =	sdelay $0x1  }
0xaa: {  	v4 =	vld [tilespmem:s20+$0xA000];
	_ =	sdelay $0x1  }
0xab: {  	v5 =	vld [tilespmem:s20+$0xA080]  }
0xac: {  	v2 =	vadd.f32 v2, v3  }
0xad: {  	v3 =	vld [tilespmem:s20+$0xA100]  }
0xae: {  	v2 =	vadd.f32 v4, v2  }
0xaf: {  	v4 =	vld [tilespmem:s20+$0xA180]  }
0xb0: {  	v2 =	vadd.f32 v5, v2  }
0xb1: {  	s23 =	sor.u32 s21, s19;
	v5 =	vld [tilespmem:s20+$0xA200]  }
0xb2: {  	s23 =	sor.u32 $0x380, s23;
	v2 =	vadd.f32 v3, v2  }
0xb3: {  	v3 =	vld [tilespmem:s23+$0x9F00]  }
0xb4: {  	v2 =	vadd.f32 v4, v2  }
0xb5: {  	v4 =	vld [tilespmem:s20+$0xB300]  }
0xb6: {  	v2 =	vadd.f32 v5, v2  }
0xb7: {  	v5 =	vld [tilespmem:s20+$0xB380]  }
0xb8: {  	v2 =	vadd.f32 v3, v2  }
0xb9: {  	v3 =	vld [tilespmem:s20+$0xB400]  }
0xba: {  	v2 =	vadd.f32 v4, v2  }
0xbb: {  	v4 =	vld [tilespmem:s20+$0xB480]  }
0xbc: {  	v2 =	vadd.f32 v5, v2  }
0xbd: {  	v5 =	vld [tilespmem:s20+$0xB500]  }
0xbe: {  	v2 =	vadd.f32 v3, v2  }
0xbf: {  	v3 =	vld [tilespmem:s20+$0xB580]  }
0xc0: {  	v2 =	vadd.f32 v4, v2  }
0xc1: {  	v4 =	vld [tilespmem:s20+$0xB600]  }
0xc2: {  	v2 =	vadd.f32 v5, v2  }
0xc3: {  	v5 =	vld [tilespmem:s20+$0xB680]  }
0xc4: {  	v2 =	vadd.f32 v3, v2;
	_ =	sdelay $0x1  }
.Ltmp2:
0xc5: {  	v2 =	vadd.f32 v4, v2;
	(pc) =	sbr.rel @p1 .LBB2_6-.Ltmp2, $4  }
0xc6: {  	s20 =	sadd.s32 s19, s3;
	s19 =	smov.u32 s22  }
0xc7: {  	s21 =	sadd.s32 $0x80, s21;
	s20 =	sand.u32 $0x7F80, s20;
	v2 =	vadd.f32 v5, v2  }
0xc8: {  	s23 =	sand.u32 $0x1C00, s21;
	s24 =	sor.u32 s18, s20;
	s18 =	sand.u32 $0x70, s22  }
0xc9: {  	s22 =	sadd.s32 $0x10, s22;
	s20 =	sor.u32 s18, s23;
	[tilespmem:s24+$0x4F00] =	vst v2  }
0xca: {  	v2 =	vld [tilespmem:s20+$0x9F80]  }
0xcb: {  	v3 =	vld [tilespmem:s20+$0x9F00];
	_ =	sdelay $0x1  }
0xcc: {  	v4 =	vld [tilespmem:s20+$0xA000];
	_ =	sdelay $0x1  }
0xcd: {  	v5 =	vld [tilespmem:s20+$0xA080]  }
0xce: {  	v2 =	vadd.f32 v2, v3  }
0xcf: {  	v3 =	vld [tilespmem:s20+$0xA100]  }
0xd0: {  	v2 =	vadd.f32 v4, v2  }
0xd1: {  	v56 =	vld [tilespmem:s20+$0xA180]  }
0xd2: {  	v2 =	vadd.f32 v5, v2  }
0xd3: {  	v57 =	vld [tilespmem:s20+$0xA200];
	s21 =	sor.u32 s21, s19  }
0xd4: {  	s21 =	sor.u32 $0x380, s21;
	v2 =	vadd.f32 v3, v2  }
0xd5: {  	v3 =	vld [tilespmem:s21+$0x9F00]  }
0xd6: {  	v2 =	vadd.f32 v56, v2  }
0xd7: {  	v58 =	vld [tilespmem:s20+$0xB300]  }
0xd8: {  	v2 =	vadd.f32 v57, v2  }
0xd9: {  	v59 =	vld [tilespmem:s20+$0xB380]  }
0xda: {  	v2 =	vadd.f32 v3, v2  }
0xdb: {  	v3 =	vld [tilespmem:s20+$0xB400]  }
0xdc: {  	v2 =	vadd.f32 v58, v2  }
0xdd: {  	v60 =	vld [tilespmem:s20+$0xB480]  }
0xde: {  	v2 =	vadd.f32 v59, v2  }
0xdf: {  	v61 =	vld [tilespmem:s20+$0xB500]  }
0xe0: {  	v2 =	vadd.f32 v3, v2  }
0xe1: {  	v3 =	vld [tilespmem:s20+$0xB580]  }
0xe2: {  	v2 =	vadd.f32 v60, v2  }
0xe3: {  	v62 =	vld [tilespmem:s20+$0xB600]  }
0xe4: {  	v2 =	vadd.f32 v61, v2  }
0xe5: {  	v63 =	vld [tilespmem:s20+$0xB680]  }
0xe6: {  	v2 =	vadd.f32 v3, v2;
	_ =	sdelay $0x1  }
0xe7: {  	v2 =	vadd.f32 v62, v2  }
0xe8: {  	s31 =	sadd.s32 s19, s3  }
0xe9: {  	s2 =	sadd.s32 $0x1, s2;
	s19 =	sand.u32 $0x7F80, s31;
	v2 =	vadd.f32 v63, v2  }
0xea: {  	p1 =	sne.s32 s2, s9;
	s18 =	sor.u32 s18, s19  }
.Ltmp3:
0xeb: {  	[tilespmem:s18+$0x4F00] =	vst v2;
	(pc) =	sbr.rel @p1 .LBB2_1-.Ltmp3, $4  }
0xec: {  	[hbm4b:s7+s11] =	stream.strided.scatter [tilespmem:s8], [sflag:$0x1], $0x280, s17, s11, $0x38;
	[tilespmem:$0xC700] =	vst v63  }
0xed: {  	_ =	swait.ge [sflag:s13], $0x280  }
0xee: {  	[sflag:s13] =	ssyncset.done $0x0  }
0xef: {  	[sflag:s13] =	ssyncadd.s32 $0xFFFFFD80  }
0xf0: {  	_ =	sfence.sel $0x180000  }
0xf1: {  	[bflag:$0x0] =	sbarrier.arrive $0xFFFF  }
0xf2: {  	p0 =	sne.s32 s0, $0x0;
	_ =	strace $0x90000047  }
0xf3: {  	s0 =	sadd.s32 @!p0 $0x100000, s1;
	[bflag:$0x2] =	sbarrier.arrive $0xFFFF  }
0xf4: {  	[sflag:s0] =	ssyncadd.tile.s32 @!p0 $0x1;
	_ =	shalt  }
.Lfunc_end2:
_tile_overlayer_lowered:
.L_overlay_start_2:
0xf5: {  	(tag) =	ssettag $0x2  }
0xf6: {  	s0 =	rddreg [dreg:$0x0];
	s2 =	stileid.u32  }
0xf7: {  	s1 =	rddreg [dreg:$0x1];
	p0 =	sne.s32 s2, $0x0  }
0xf8: {  	s3 =	rddreg [dreg:$0x2];
	[bflag:$0x3] =	sbarrier.arrive $0xFFFF;
	s2 =	simm.s32 @!p0 $0x1C01  }
0xf9: {  	[timem:s3], [sflag:s2] =	dma.local @!p0 [hbm:s0], s1  }
0xfa: {  	s0 =	simm.s32 @!p0 $0x1  }
0xfb: {  	_ =	swait.ge @!p0 [sflag:s0], s1  }
0xfc: {  	s1 =	ssub.s32 @!p0 $0x0, s1;
	[sflag:s0] =	ssyncset.done @!p0 $0x0  }
0xfd: {  	[sflag:s0] =	ssyncadd.s32 @!p0 s1  }
0xfe: {  	[bflag:$0x3] =	sbarrier.arrive $0xFFFF  }
0xff: {  	_ =	shalt  }

</sc_bundles>
